<compile_context>
chip_gen: v7x
topology: tpu7x:2x2x1
jax: 0.10.2.dev20260603
libtpu: 0.0.44.dev20260713+nightly
codegen_flags: <defaults>
</compile_context>

<pallas_src>
import functools

import jax
import jax.numpy as jnp
from jax import lax
from jax.experimental import pallas as pl
from jax.experimental.pallas import tpu as pltpu
from jax.experimental.pallas import tpu_sc as plsc

_N = 10000
_E = 320000
_D = 128
_EPS = 1e-5

_NC = 2
_NS = 16
_NW = _NC * _NS
_C = 100
_KC = _E // (_NW * _C)
_RPT = _N // _NS

_mesh = plsc.VectorSubcoreMesh(core_axis_name="c", subcore_axis_name="s")



def _deg_body(dst_hbm, ones_hbm, degp_hbm, dst_v, ones_v, zbuf, deg_sh, sem):
    c = lax.axis_index("c")
    s = lax.axis_index("s")
    wid = s * _NC + c
    pltpu.sync_copy(dst_hbm.at[wid], dst_v)
    pltpu.sync_copy(ones_hbm, ones_v)

    @pl.loop(0, _RPT // 5)
    def _zrow(r):
        zbuf[r, pl.ds(0, 16)] = jnp.zeros((16,), jnp.float32)

    for t in range(5):
        pltpu.sync_copy(zbuf,
                        deg_sh.at[pl.ds(s * _RPT + t * (_RPT // 5), _RPT // 5)])
    plsc.subcore_barrier()

    @pl.loop(0, _KC)
    def _chunk(j):
        pltpu.async_copy(ones_v, deg_sh.at[dst_v.at[j]], sem, add=True)

    @pl.loop(0, _KC)
    def _drain(j):
        pltpu.make_async_copy(ones_v, deg_sh.at[dst_v.at[0]], sem).wait()

    plsc.subcore_barrier()
    pltpu.sync_copy(deg_sh.at[pl.ds(s * _RPT, _RPT)],
                    degp_hbm.at[c, pl.ds(s * _RPT, _RPT)])


def _agg_body(src_hbm, dst_hbm, y_hbm, accp_hbm,
              src_v, dst_v, rows0, rows1, acc_sh, gsem0, gsem1):
    c = lax.axis_index("c")
    s = lax.axis_index("s")
    wid = s * _NC + c
    pltpu.sync_copy(src_hbm.at[wid], src_v)
    pltpu.sync_copy(dst_hbm.at[wid], dst_v)

    @pl.loop(0, _C)
    def _zrow(r):
        for k in range(_D // 16):
            rows0[r, pl.ds(k * 16, 16)] = jnp.zeros((16,), jnp.float32)

    _nfull = _RPT // _C
    _rem = _RPT - _nfull * _C
    for t in range(_nfull):
        pltpu.sync_copy(rows0, acc_sh.at[pl.ds(s * _RPT + t * _C, _C)])
    if _rem:
        pltpu.sync_copy(rows0.at[pl.ds(0, _rem)],
                        acc_sh.at[pl.ds(s * _RPT + _nfull * _C, _rem)])

    pltpu.async_copy(y_hbm.at[src_v.at[0]], rows0, gsem0)
    pltpu.async_copy(y_hbm.at[src_v.at[1]], rows1, gsem1)
    plsc.subcore_barrier()

    @pl.loop(0, _KC, step=2)
    def _chunk(j):
        pltpu.make_async_copy(y_hbm.at[src_v.at[j]], rows0, gsem0).wait()
        pltpu.sync_copy(rows0, acc_sh.at[dst_v.at[j]], add=True)

        @pl.when(j + 2 < _KC)
        def _next0():
            pltpu.async_copy(y_hbm.at[src_v.at[j + 2]], rows0, gsem0)

        pltpu.make_async_copy(y_hbm.at[src_v.at[j + 1]], rows1, gsem1).wait()
        pltpu.sync_copy(rows1, acc_sh.at[dst_v.at[j + 1]], add=True)

        @pl.when(j + 2 < _KC)
        def _next1():
            pltpu.async_copy(y_hbm.at[src_v.at[j + 3]], rows1, gsem1)

    plsc.subcore_barrier()
    pltpu.sync_copy(acc_sh.at[pl.ds(s * _RPT, _RPT)],
                    accp_hbm.at[c, pl.ds(s * _RPT, _RPT)])


def _sc_degree(dst_w):
    ones = jnp.ones((_C, 16), jnp.float32)
    return pl.kernel(
        _deg_body,
        out_type=jax.ShapeDtypeStruct((_NC, _N, 16), jnp.float32),
        mesh=_mesh,
        scratch_types=[
            pltpu.VMEM((_KC, _C), jnp.int32),
            pltpu.VMEM((_C, 16), jnp.float32),
            pltpu.VMEM((_RPT // 5, 16), jnp.float32),
            pltpu.VMEM_SHARED((_N, 16), jnp.float32),
            pltpu.SemaphoreType.DMA,
        ],
        compiler_params=pltpu.CompilerParams(use_tc_tiling_on_sc=False),
    )(dst_w, ones)


def _sc_aggregate(src_w, dst_w, y):
    return pl.kernel(
        _agg_body,
        out_type=jax.ShapeDtypeStruct((_NC, _N, _D), jnp.float32),
        mesh=_mesh,
        scratch_types=[
            pltpu.VMEM((_KC, _C), jnp.int32),
            pltpu.VMEM((_KC, _C), jnp.int32),
            pltpu.VMEM((_C, _D), jnp.float32),
            pltpu.VMEM((_C, _D), jnp.float32),
            pltpu.VMEM_SHARED((_N, _D), jnp.float32),
            pltpu.SemaphoreType.DMA,
            pltpu.SemaphoreType.DMA,
        ],
        compiler_params=pltpu.CompilerParams(use_tc_tiling_on_sc=False),
    )(src_w, dst_w, y)



_R = 5000
_G = _N // _R


def _prep_body(degp_ref, x_ref, y_ref, dinv_ref):
    deg = 1.0 + degp_ref[0, :, 0:1] + degp_ref[1, :, 0:1]
    dinv = 1.0 / jnp.sqrt(deg)
    y_ref[...] = x_ref[...] * dinv
    dinv_ref[...] = jnp.broadcast_to(dinv, (_R, _D))


def _tc_prep(degp, x):
    return pl.pallas_call(
        _prep_body,
        grid=(_G,),
        in_specs=[
            pl.BlockSpec((_NC, _R, 16), lambda i: (0, i, 0)),
            pl.BlockSpec((_R, _D), lambda i: (i, 0)),
        ],
        out_specs=[
            pl.BlockSpec((_R, _D), lambda i: (i, 0)),
            pl.BlockSpec((_R, _D), lambda i: (i, 0)),
        ],
        out_shape=[
            jax.ShapeDtypeStruct((_N, _D), jnp.float32),
            jax.ShapeDtypeStruct((_N, _D), jnp.float32),
        ],
    )(degp, x)


def _mm_body(p_ref, y_ref, dinv_ref, w_ref, b_ref, h_ref, stats_ref):
    agg = dinv_ref[...] * (p_ref[0] + p_ref[1] + y_ref[...])
    h = jnp.dot(agg, w_ref[...], preferred_element_type=jnp.float32) + b_ref[...]
    h_ref[...] = h
    s1 = jnp.broadcast_to(jnp.sum(h, axis=0, keepdims=True), (4, _D))
    s2 = jnp.broadcast_to(jnp.sum(h * h, axis=0, keepdims=True), (4, _D))
    st = jnp.concatenate([s1, s2], axis=0)

    @pl.when(pl.program_id(0) == 0)
    def _init():
        stats_ref[...] = st

    @pl.when(pl.program_id(0) > 0)
    def _acc():
        stats_ref[...] += st


def _tc_matmul_stats(p, y, dinvb, W, b):
    return pl.pallas_call(
        _mm_body,
        grid=(_G,),
        in_specs=[
            pl.BlockSpec((_NC, _R, _D), lambda i: (0, i, 0)),
            pl.BlockSpec((_R, _D), lambda i: (i, 0)),
            pl.BlockSpec((_R, _D), lambda i: (i, 0)),
            pl.BlockSpec((_D, _D), lambda i: (0, 0)),
            pl.BlockSpec((1, _D), lambda i: (0, 0)),
        ],
        out_specs=[
            pl.BlockSpec((_R, _D), lambda i: (i, 0)),
            pl.BlockSpec((8, _D), lambda i: (0, 0)),
        ],
        out_shape=[
            jax.ShapeDtypeStruct((_N, _D), jnp.float32),
            jax.ShapeDtypeStruct((8, _D), jnp.float32),
        ],
    )(p, y, dinvb, W, b.reshape(1, _D))


def _bn_body(h_ref, stats_ref, gamma_ref, beta_ref, dinv_ref, out_ref, ynext_ref):
    inv_n = 1.0 / _N
    mean = stats_ref[0:1, :] * inv_n
    var = stats_ref[4:5, :] * inv_n - mean * mean
    scale = gamma_ref[...] / jnp.sqrt(var + _EPS)
    out = jnp.maximum((h_ref[...] - mean) * scale + beta_ref[...], 0.0)
    out_ref[...] = out
    if ynext_ref is not None:
        ynext_ref[...] = out * dinv_ref[...]


def _bn_body_last(h_ref, stats_ref, gamma_ref, beta_ref, dinv_ref, out_ref):
    _bn_body(h_ref, stats_ref, gamma_ref, beta_ref, dinv_ref, out_ref, None)


def _tc_bn_relu(h, stats, gamma, beta, dinvb, want_ynext):
    if want_ynext:
        body = _bn_body
        out_specs = [pl.BlockSpec((_R, _D), lambda i: (i, 0)),
                     pl.BlockSpec((_R, _D), lambda i: (i, 0))]
        out_shape = [jax.ShapeDtypeStruct((_N, _D), jnp.float32),
                     jax.ShapeDtypeStruct((_N, _D), jnp.float32)]
    else:
        body = _bn_body_last
        out_specs = [pl.BlockSpec((_R, _D), lambda i: (i, 0))]
        out_shape = [jax.ShapeDtypeStruct((_N, _D), jnp.float32)]
    return pl.pallas_call(
        body,
        grid=(_G,),
        in_specs=[
            pl.BlockSpec((_R, _D), lambda i: (i, 0)),
            pl.BlockSpec((8, _D), lambda i: (0, 0)),
            pl.BlockSpec((1, _D), lambda i: (0, 0)),
            pl.BlockSpec((1, _D), lambda i: (0, 0)),
            pl.BlockSpec((_R, _D), lambda i: (i, 0)),
        ],
        out_specs=out_specs,
        out_shape=out_shape,
    )(h, stats, gamma.reshape(1, _D), beta.reshape(1, _D), dinvb)



def kernel(node_emb, edge_index, W1, b1, gamma1, beta1, W2, b2, gamma2, beta2):
    src_w = edge_index[0].reshape(_NW, _KC, _C)
    dst_w = edge_index[1].reshape(_NW, _KC, _C)

    degp = _sc_degree(dst_w)
    y1, dinvb = _tc_prep(degp, node_emb)

    p1 = _sc_aggregate(src_w, dst_w, y1)
    h1, stats1 = _tc_matmul_stats(p1, y1, dinvb, W1, b1)
    _, y2 = _tc_bn_relu(h1, stats1, gamma1, beta1, dinvb, want_ynext=True)

    p2 = _sc_aggregate(src_w, dst_w, y2)
    h2, stats2 = _tc_matmul_stats(p2, y2, dinvb, W2, b2)
    (out,) = _tc_bn_relu(h2, stats2, gamma2, beta2, dinvb, want_ynext=False)
    return out

# --- scband reference (transcript-rebuilt; emitter-appended) ---
"""Pipeline reference for scband-sgcn-73512660238650 (READ-ONLY COPY).

The authoritative reference and input builder live on the scoring server;
editing this copy changes nothing except your own understanding.
"""

import jax, jax.numpy as jnp
import numpy as np

N = 10000
E = 320000
D_IN = 128
D_HID = 128
D_OUT = 128
EPS = 1e-5


def setup_inputs(seed: int = 0) -> dict:
    key = jax.random.key(seed)
    ks = jax.random.split(key, 4)
    node_emb = jax.random.normal(ks[0], (N, D_IN), dtype=jnp.float32)
    edge_index = jax.random.randint(ks[1], (2, E), 0, N, dtype=jnp.int32)
    s1 = 1.0 / np.sqrt(D_IN)
    s2 = 1.0 / np.sqrt(D_HID)
    W1 = jax.random.uniform(ks[2], (D_IN, D_HID), dtype=jnp.float32, minval=-s1, maxval=s1)
    b1 = jnp.zeros((D_HID,), jnp.float32)
    gamma1 = jnp.ones((D_HID,), jnp.float32)
    beta1 = jnp.zeros((D_HID,), jnp.float32)
    W2 = jax.random.uniform(ks[3], (D_HID, D_OUT), dtype=jnp.float32, minval=-s2, maxval=s2)
    b2 = jnp.zeros((D_OUT,), jnp.float32)
    gamma2 = jnp.ones((D_OUT,), jnp.float32)
    beta2 = jnp.zeros((D_OUT,), jnp.float32)
    return {"node_emb": node_emb, "edge_index": edge_index, "W1": W1, "b1": b1,
            "gamma1": gamma1, "beta1": beta1, "W2": W2, "b2": b2,
            "gamma2": gamma2, "beta2": beta2}


def _sgconv(x, src, dst, W, b):
    # SGConv (K=1): symmetric-normalized propagation with self-loops, then linear
    loops = jnp.arange(N, dtype=src.dtype)
    src_full = jnp.concatenate([src, loops])
    dst_full = jnp.concatenate([dst, loops])
    deg = jnp.zeros((N,), jnp.float32).at[dst_full].add(1.0)
    dinv = jnp.where(deg > 0, 1.0 / jnp.sqrt(deg), 0.0)
    norm = dinv[src_full] * dinv[dst_full]
    agg = jnp.zeros_like(x).at[dst_full].add(norm[:, None] * x[src_full])
    return agg @ W + b


def _batchnorm(x, gamma, beta):
    # training-mode batch norm (batch statistics, biased variance)
    mean = jnp.mean(x, axis=0)
    var = jnp.mean((x - mean) ** 2, axis=0)
    return (x - mean) / jnp.sqrt(var + EPS) * gamma + beta


def reference(node_emb, edge_index, W1, b1, gamma1, beta1, W2, b2, gamma2, beta2):
    src, dst = edge_index[0], edge_index[1]
    h = _sgconv(node_emb, src, dst, W1, b1)
    h = _batchnorm(h, gamma1, beta1)
    h = jax.nn.relu(h)  # dropout p=0.0 -> identity
    h = _sgconv(h, src, dst, W2, b2)
    h = _batchnorm(h, gamma2, beta2)
    h = jax.nn.relu(h)
    return h

if __name__ == "__main__":
    import jax
    _d = setup_inputs()
    print(jax.jit(kernel)(*tuple(_d.values())))

</pallas_src>

<mosaic_0001>
#map = affine_map<(d0, d1) -> (0, 0, 0)>
#map1 = affine_map<(d0, d1) -> (0, 0)>
module attributes {stable_mosaic.version = 14 : i64} {
  func.func @_agg_body(%arg0: i32, %arg1: i32, %arg2: memref<32x100x100xi32, #tpu.memory_space<hbm>>, %arg3: memref<32x100x100xi32, #tpu.memory_space<hbm>>, %arg4: memref<10000x128xf32, #tpu.memory_space<hbm>>, %arg5: memref<2x10000x128xf32, #tpu.memory_space<hbm>>, %arg6: memref<100x100xi32, #tpu.memory_space<vmem>>, %arg7: memref<100x100xi32, #tpu.memory_space<vmem>>, %arg8: memref<100x128xf32, #tpu.memory_space<vmem>>, %arg9: memref<100x128xf32, #tpu.memory_space<vmem>>, %arg10: memref<10000x128xf32, #tpu.memory_space<vmem_shared>>, %arg11: memref<!tpu.dma_semaphore, #tpu.memory_space<semaphore_mem>>, %arg12: memref<!tpu.dma_semaphore, #tpu.memory_space<semaphore_mem>>) attributes {dimension_semantics = [#tpu.dimension_semantics<core_parallel>, #tpu.dimension_semantics<subcore_parallel>], iteration_bounds = array<i64: 2, 16>, scalar_prefetch = 0 : i64, scratch_operands = 7 : i64, tpu.core_type = #tpu.core_type<sc_vector_subcore>, window_params = [{transform_indices = #map}, {transform_indices = #map}, {transform_indices = #map1}, {transform_indices = #map}]} {
    %mul3A = arith.constant 2 : i32
    %mul3A_0 = arith.muli %arg1, %mul3A : i32
    %add3A = arith.addi %mul3A_0, %arg0 : i32
    "tpu.region"() ({
      %run_scoped3A = tpu.sem_alloc : memref<!tpu.dma_semaphore, #tpu.memory_space<semaphore_mem>>
      %dma_start3A_56 = arith.constant 0 : i32
      %dma_start3A_57 = arith.constant 0 : i32
      %dma_start3A_58 = tpu.memref_slice %arg2[%add3A, %dma_start3A_56, %dma_start3A_57] : memref<32x100x100xi32, #tpu.memory_space<hbm>> -> memref<1x100x100xi32, #tpu.memory_space<hbm>>
      %dma_start3A_59 = tpu.memref_squeeze %dma_start3A_58 : memref<1x100x100xi32, #tpu.memory_space<hbm>> -> memref<100x100xi32, #tpu.memory_space<hbm>>
      %dma_start3A_60 = arith.constant 0 : i32
      %dma_start3A_61 = arith.constant 0 : i32
      %dma_start3A_62 = tpu.memref_slice %arg2[%add3A, %dma_start3A_60, %dma_start3A_61] : memref<32x100x100xi32, #tpu.memory_space<hbm>> -> memref<1x100x100xi32, #tpu.memory_space<hbm>>
      %dma_start3A_63 = tpu.memref_squeeze %dma_start3A_62 : memref<1x100x100xi32, #tpu.memory_space<hbm>> -> memref<100x100xi32, #tpu.memory_space<hbm>>
      tpu.enqueue_dma source(%dma_start3A_63 : memref<100x100xi32, #tpu.memory_space<hbm>>) target(%arg6 : memref<100x100xi32, #tpu.memory_space<vmem>>) target_semaphore(%run_scoped3A : memref<!tpu.dma_semaphore, #tpu.memory_space<semaphore_mem>>)
      %dma_wait3A = arith.constant 0 : i32
      %dma_wait3A_64 = arith.constant 0 : i32
      %dma_wait3A_65 = tpu.memref_slice %arg2[%add3A, %dma_wait3A, %dma_wait3A_64] : memref<32x100x100xi32, #tpu.memory_space<hbm>> -> memref<1x100x100xi32, #tpu.memory_space<hbm>>
      %dma_wait3A_66 = tpu.memref_squeeze %dma_wait3A_65 : memref<1x100x100xi32, #tpu.memory_space<hbm>> -> memref<100x100xi32, #tpu.memory_space<hbm>>
      %dma_wait3A_67 = arith.constant 0 : i32
      %dma_wait3A_68 = arith.constant 0 : i32
      %dma_wait3A_69 = tpu.memref_slice %arg2[%add3A, %dma_wait3A_67, %dma_wait3A_68] : memref<32x100x100xi32, #tpu.memory_space<hbm>> -> memref<1x100x100xi32, #tpu.memory_space<hbm>>
      %dma_wait3A_70 = tpu.memref_squeeze %dma_wait3A_69 : memref<1x100x100xi32, #tpu.memory_space<hbm>> -> memref<100x100xi32, #tpu.memory_space<hbm>>
      tpu.wait_dma2 semaphore(%run_scoped3A : memref<!tpu.dma_semaphore, #tpu.memory_space<semaphore_mem>>) src(%dma_wait3A_70 : memref<100x100xi32, #tpu.memory_space<hbm>>) dst(%arg6 : memref<100x100xi32, #tpu.memory_space<vmem>>)
      tpu.yield
    }) : () -> ()
    "tpu.region"() ({
      %run_scoped3A = tpu.sem_alloc : memref<!tpu.dma_semaphore, #tpu.memory_space<semaphore_mem>>
      %dma_start3A_56 = arith.constant 0 : i32
      %dma_start3A_57 = arith.constant 0 : i32
      %dma_start3A_58 = tpu.memref_slice %arg3[%add3A, %dma_start3A_56, %dma_start3A_57] : memref<32x100x100xi32, #tpu.memory_space<hbm>> -> memref<1x100x100xi32, #tpu.memory_space<hbm>>
      %dma_start3A_59 = tpu.memref_squeeze %dma_start3A_58 : memref<1x100x100xi32, #tpu.memory_space<hbm>> -> memref<100x100xi32, #tpu.memory_space<hbm>>
      %dma_start3A_60 = arith.constant 0 : i32
      %dma_start3A_61 = arith.constant 0 : i32
      %dma_start3A_62 = tpu.memref_slice %arg3[%add3A, %dma_start3A_60, %dma_start3A_61] : memref<32x100x100xi32, #tpu.memory_space<hbm>> -> memref<1x100x100xi32, #tpu.memory_space<hbm>>
      %dma_start3A_63 = tpu.memref_squeeze %dma_start3A_62 : memref<1x100x100xi32, #tpu.memory_space<hbm>> -> memref<100x100xi32, #tpu.memory_space<hbm>>
      tpu.enqueue_dma source(%dma_start3A_63 : memref<100x100xi32, #tpu.memory_space<hbm>>) target(%arg7 : memref<100x100xi32, #tpu.memory_space<vmem>>) target_semaphore(%run_scoped3A : memref<!tpu.dma_semaphore, #tpu.memory_space<semaphore_mem>>)
      %dma_wait3A = arith.constant 0 : i32
      %dma_wait3A_64 = arith.constant 0 : i32
      %dma_wait3A_65 = tpu.memref_slice %arg3[%add3A, %dma_wait3A, %dma_wait3A_64] : memref<32x100x100xi32, #tpu.memory_space<hbm>> -> memref<1x100x100xi32, #tpu.memory_space<hbm>>
      %dma_wait3A_66 = tpu.memref_squeeze %dma_wait3A_65 : memref<1x100x100xi32, #tpu.memory_space<hbm>> -> memref<100x100xi32, #tpu.memory_space<hbm>>
      %dma_wait3A_67 = arith.constant 0 : i32
      %dma_wait3A_68 = arith.constant 0 : i32
      %dma_wait3A_69 = tpu.memref_slice %arg3[%add3A, %dma_wait3A_67, %dma_wait3A_68] : memref<32x100x100xi32, #tpu.memory_space<hbm>> -> memref<1x100x100xi32, #tpu.memory_space<hbm>>
      %dma_wait3A_70 = tpu.memref_squeeze %dma_wait3A_69 : memref<1x100x100xi32, #tpu.memory_space<hbm>> -> memref<100x100xi32, #tpu.memory_space<hbm>>
      tpu.wait_dma2 semaphore(%run_scoped3A : memref<!tpu.dma_semaphore, #tpu.memory_space<semaphore_mem>>) src(%dma_wait3A_70 : memref<100x100xi32, #tpu.memory_space<hbm>>) dst(%arg7 : memref<100x100xi32, #tpu.memory_space<vmem>>)
      tpu.yield
    }) : () -> ()
    %scan3A = arith.constant 0 : i32
    %scan3A_1 = arith.constant 100 : i32
    %scan3A_2 = arith.addi %scan3A, %scan3A_1 : i32
    %scan3A_3 = arith.constant 1 : i32
    scf.for %scan3A_56 = %scan3A to %scan3A_2 step %scan3A_3  : i32 {
      %mul3A_57 = arith.constant 1 : i32
      %mul3A_58 = arith.muli %scan3A_56, %mul3A_57 : i32
      %add3A_59 = arith.constant 0 : i32
      %add3A_60 = arith.addi %add3A_59, %mul3A_58 : i32
      %broadcast_in_dim3A = arith.constant 0.000000e+00 : f32
      %broadcast_in_dim3A_61 = vector.broadcast %broadcast_in_dim3A : f32 to vector<16xf32>
      %swap3A = arith.index_cast %add3A_60 : i32 to index
      %swap3A_62 = arith.constant 0 : index
      %swap3A_63 = tpu.vector_load %arg8[%swap3A, %swap3A_62] {strides = array<i32>} : memref<100x128xf32, #tpu.memory_space<vmem>>, vector<1x16xf32>,
      %swap3A_64 = vector.shape_cast %swap3A_63 : vector<1x16xf32> to vector<16xf32>
      %swap3A_65 = vector.shape_cast %broadcast_in_dim3A_61 : vector<16xf32> to vector<1x16xf32>
      tpu.vector_store %arg8[%swap3A, %swap3A_62], %swap3A_65 {strides = array<i32>} : memref<100x128xf32, #tpu.memory_space<vmem>>, vector<1x16xf32>,
      %broadcast_in_dim3A_66 = arith.constant 0.000000e+00 : f32
      %broadcast_in_dim3A_67 = vector.broadcast %broadcast_in_dim3A_66 : f32 to vector<16xf32>
      %swap3A_68 = arith.index_cast %add3A_60 : i32 to index
      %swap3A_69 = arith.constant 16 : index
      %swap3A_70 = tpu.vector_load %arg8[%swap3A_68, %swap3A_69] {strides = array<i32>} : memref<100x128xf32, #tpu.memory_space<vmem>>, vector<1x16xf32>,
      %swap3A_71 = vector.shape_cast %swap3A_70 : vector<1x16xf32> to vector<16xf32>
      %swap3A_72 = vector.shape_cast %broadcast_in_dim3A_67 : vector<16xf32> to vector<1x16xf32>
      tpu.vector_store %arg8[%swap3A_68, %swap3A_69], %swap3A_72 {strides = array<i32>} : memref<100x128xf32, #tpu.memory_space<vmem>>, vector<1x16xf32>,
      %broadcast_in_dim3A_73 = arith.constant 0.000000e+00 : f32
      %broadcast_in_dim3A_74 = vector.broadcast %broadcast_in_dim3A_73 : f32 to vector<16xf32>
      %swap3A_75 = arith.index_cast %add3A_60 : i32 to index
      %swap3A_76 = arith.constant 32 : index
      %swap3A_77 = tpu.vector_load %arg8[%swap3A_75, %swap3A_76] {strides = array<i32>} : memref<100x128xf32, #tpu.memory_space<vmem>>, vector<1x16xf32>,
      %swap3A_78 = vector.shape_cast %swap3A_77 : vector<1x16xf32> to vector<16xf32>
      %swap3A_79 = vector.shape_cast %broadcast_in_dim3A_74 : vector<16xf32> to vector<1x16xf32>
      tpu.vector_store %arg8[%swap3A_75, %swap3A_76], %swap3A_79 {strides = array<i32>} : memref<100x128xf32, #tpu.memory_space<vmem>>, vector<1x16xf32>,
      %broadcast_in_dim3A_80 = arith.constant 0.000000e+00 : f32
      %broadcast_in_dim3A_81 = vector.broadcast %broadcast_in_dim3A_80 : f32 to vector<16xf32>
      %swap3A_82 = arith.index_cast %add3A_60 : i32 to index
      %swap3A_83 = arith.constant 48 : index
      %swap3A_84 = tpu.vector_load %arg8[%swap3A_82, %swap3A_83] {strides = array<i32>} : memref<100x128xf32, #tpu.memory_space<vmem>>, vector<1x16xf32>,
      %swap3A_85 = vector.shape_cast %swap3A_84 : vector<1x16xf32> to vector<16xf32>
      %swap3A_86 = vector.shape_cast %broadcast_in_dim3A_81 : vector<16xf32> to vector<1x16xf32>
      tpu.vector_store %arg8[%swap3A_82, %swap3A_83], %swap3A_86 {strides = array<i32>} : memref<100x128xf32, #tpu.memory_space<vmem>>, vector<1x16xf32>,
      %broadcast_in_dim3A_87 = arith.constant 0.000000e+00 : f32
      %broadcast_in_dim3A_88 = vector.broadcast %broadcast_in_dim3A_87 : f32 to vector<16xf32>
      %swap3A_89 = arith.index_cast %add3A_60 : i32 to index
      %swap3A_90 = arith.constant 64 : index
      %swap3A_91 = tpu.vector_load %arg8[%swap3A_89, %swap3A_90] {strides = array<i32>} : memref<100x128xf32, #tpu.memory_space<vmem>>, vector<1x16xf32>,
      %swap3A_92 = vector.shape_cast %swap3A_91 : vector<1x16xf32> to vector<16xf32>
      %swap3A_93 = vector.shape_cast %broadcast_in_dim3A_88 : vector<16xf32> to vector<1x16xf32>
      tpu.vector_store %arg8[%swap3A_89, %swap3A_90], %swap3A_93 {strides = array<i32>} : memref<100x128xf32, #tpu.memory_space<vmem>>, vector<1x16xf32>,
      %broadcast_in_dim3A_94 = arith.constant 0.000000e+00 : f32
      %broadcast_in_dim3A_95 = vector.broadcast %broadcast_in_dim3A_94 : f32 to vector<16xf32>
      %swap3A_96 = arith.index_cast %add3A_60 : i32 to index
      %swap3A_97 = arith.constant 80 : index
      %swap3A_98 = tpu.vector_load %arg8[%swap3A_96, %swap3A_97] {strides = array<i32>} : memref<100x128xf32, #tpu.memory_space<vmem>>, vector<1x16xf32>,
      %swap3A_99 = vector.shape_cast %swap3A_98 : vector<1x16xf32> to vector<16xf32>
      %swap3A_100 = vector.shape_cast %broadcast_in_dim3A_95 : vector<16xf32> to vector<1x16xf32>
      tpu.vector_store %arg8[%swap3A_96, %swap3A_97], %swap3A_100 {strides = array<i32>} : memref<100x128xf32, #tpu.memory_space<vmem>>, vector<1x16xf32>,
      %broadcast_in_dim3A_101 = arith.constant 0.000000e+00 : f32
      %broadcast_in_dim3A_102 = vector.broadcast %broadcast_in_dim3A_101 : f32 to vector<16xf32>
      %swap3A_103 = arith.index_cast %add3A_60 : i32 to index
      %swap3A_104 = arith.constant 96 : index
      %swap3A_105 = tpu.vector_load %arg8[%swap3A_103, %swap3A_104] {strides = array<i32>} : memref<100x128xf32, #tpu.memory_space<vmem>>, vector<1x16xf32>,
      %swap3A_106 = vector.shape_cast %swap3A_105 : vector<1x16xf32> to vector<16xf32>
      %swap3A_107 = vector.shape_cast %broadcast_in_dim3A_102 : vector<16xf32> to vector<1x16xf32>
      tpu.vector_store %arg8[%swap3A_103, %swap3A_104], %swap3A_107 {strides = array<i32>} : memref<100x128xf32, #tpu.memory_space<vmem>>, vector<1x16xf32>,
      %broadcast_in_dim3A_108 = arith.constant 0.000000e+00 : f32
      %broadcast_in_dim3A_109 = vector.broadcast %broadcast_in_dim3A_108 : f32 to vector<16xf32>
      %swap3A_110 = arith.index_cast %add3A_60 : i32 to index
      %swap3A_111 = arith.constant 112 : index
      %swap3A_112 = tpu.vector_load %arg8[%swap3A_110, %swap3A_111] {strides = array<i32>} : memref<100x128xf32, #tpu.memory_space<vmem>>, vector<1x16xf32>,
      %swap3A_113 = vector.shape_cast %swap3A_112 : vector<1x16xf32> to vector<16xf32>
      %swap3A_114 = vector.shape_cast %broadcast_in_dim3A_109 : vector<16xf32> to vector<1x16xf32>
      tpu.vector_store %arg8[%swap3A_110, %swap3A_111], %swap3A_114 {strides = array<i32>} : memref<100x128xf32, #tpu.memory_space<vmem>>, vector<1x16xf32>,
    }
    %scan3A_4 = arith.constant 100 : i32
    %mul3A_5 = arith.constant 625 : i32
    %mul3A_6 = arith.muli %arg1, %mul3A_5 : i32
    %add3A_7 = arith.constant 0 : i32
    %add3A_8 = arith.addi %mul3A_6, %add3A_7 : i32
    "tpu.region"() ({
      %run_scoped3A = tpu.sem_alloc : memref<!tpu.dma_semaphore, #tpu.memory_space<semaphore_mem>>
      %dma_start3A_56 = arith.constant 0 : i32
      %dma_start3A_57 = tpu.memref_slice %arg10[%add3A_8, %dma_start3A_56] : memref<10000x128xf32, #tpu.memory_space<vmem_shared>> -> memref<100x128xf32, #tpu.memory_space<vmem_shared>>
      %dma_start3A_58 = arith.constant 0 : i32
      %dma_start3A_59 = tpu.memref_slice %arg10[%add3A_8, %dma_start3A_58] : memref<10000x128xf32, #tpu.memory_space<vmem_shared>> -> memref<100x128xf32, #tpu.memory_space<vmem_shared>>
      tpu.enqueue_dma source(%arg8 : memref<100x128xf32, #tpu.memory_space<vmem>>) target(%dma_start3A_59 : memref<100x128xf32, #tpu.memory_space<vmem_shared>>) target_semaphore(%run_scoped3A : memref<!tpu.dma_semaphore, #tpu.memory_space<semaphore_mem>>)
      %dma_wait3A = arith.constant 0 : i32
      %dma_wait3A_60 = tpu.memref_slice %arg10[%add3A_8, %dma_wait3A] : memref<10000x128xf32, #tpu.memory_space<vmem_shared>> -> memref<100x128xf32, #tpu.memory_space<vmem_shared>>
      %dma_wait3A_61 = arith.constant 0 : i32
      %dma_wait3A_62 = tpu.memref_slice %arg10[%add3A_8, %dma_wait3A_61] : memref<10000x128xf32, #tpu.memory_space<vmem_shared>> -> memref<100x128xf32, #tpu.memory_space<vmem_shared>>
      tpu.wait_dma2 semaphore(%run_scoped3A : memref<!tpu.dma_semaphore, #tpu.memory_space<semaphore_mem>>) src(%arg8 : memref<100x128xf32, #tpu.memory_space<vmem>>) dst(%dma_wait3A_62 : memref<100x128xf32, #tpu.memory_space<vmem_shared>>)
      tpu.yield
    }) : () -> ()
    %mul3A_9 = arith.constant 625 : i32
    %mul3A_10 = arith.muli %arg1, %mul3A_9 : i32
    %add3A_11 = arith.constant 100 : i32
    %add3A_12 = arith.addi %mul3A_10, %add3A_11 : i32
    "tpu.region"() ({
      %run_scoped3A = tpu.sem_alloc : memref<!tpu.dma_semaphore, #tpu.memory_space<semaphore_mem>>
      %dma_start3A_56 = arith.constant 0 : i32
      %dma_start3A_57 = tpu.memref_slice %arg10[%add3A_12, %dma_start3A_56] : memref<10000x128xf32, #tpu.memory_space<vmem_shared>> -> memref<100x128xf32, #tpu.memory_space<vmem_shared>>
      %dma_start3A_58 = arith.constant 0 : i32
      %dma_start3A_59 = tpu.memref_slice %arg10[%add3A_12, %dma_start3A_58] : memref<10000x128xf32, #tpu.memory_space<vmem_shared>> -> memref<100x128xf32, #tpu.memory_space<vmem_shared>>
      tpu.enqueue_dma source(%arg8 : memref<100x128xf32, #tpu.memory_space<vmem>>) target(%dma_start3A_59 : memref<100x128xf32, #tpu.memory_space<vmem_shared>>) target_semaphore(%run_scoped3A : memref<!tpu.dma_semaphore, #tpu.memory_space<semaphore_mem>>)
      %dma_wait3A = arith.constant 0 : i32
      %dma_wait3A_60 = tpu.memref_slice %arg10[%add3A_12, %dma_wait3A] : memref<10000x128xf32, #tpu.memory_space<vmem_shared>> -> memref<100x128xf32, #tpu.memory_space<vmem_shared>>
      %dma_wait3A_61 = arith.constant 0 : i32
      %dma_wait3A_62 = tpu.memref_slice %arg10[%add3A_12, %dma_wait3A_61] : memref<10000x128xf32, #tpu.memory_space<vmem_shared>> -> memref<100x128xf32, #tpu.memory_space<vmem_shared>>
      tpu.wait_dma2 semaphore(%run_scoped3A : memref<!tpu.dma_semaphore, #tpu.memory_space<semaphore_mem>>) src(%arg8 : memref<100x128xf32, #tpu.memory_space<vmem>>) dst(%dma_wait3A_62 : memref<100x128xf32, #tpu.memory_space<vmem_shared>>)
      tpu.yield
    }) : () -> ()
    %mul3A_13 = arith.constant 625 : i32
    %mul3A_14 = arith.muli %arg1, %mul3A_13 : i32
    %add3A_15 = arith.constant 200 : i32
    %add3A_16 = arith.addi %mul3A_14, %add3A_15 : i32
    "tpu.region"() ({
      %run_scoped3A = tpu.sem_alloc : memref<!tpu.dma_semaphore, #tpu.memory_space<semaphore_mem>>
      %dma_start3A_56 = arith.constant 0 : i32
      %dma_start3A_57 = tpu.memref_slice %arg10[%add3A_16, %dma_start3A_56] : memref<10000x128xf32, #tpu.memory_space<vmem_shared>> -> memref<100x128xf32, #tpu.memory_space<vmem_shared>>
      %dma_start3A_58 = arith.constant 0 : i32
      %dma_start3A_59 = tpu.memref_slice %arg10[%add3A_16, %dma_start3A_58] : memref<10000x128xf32, #tpu.memory_space<vmem_shared>> -> memref<100x128xf32, #tpu.memory_space<vmem_shared>>
      tpu.enqueue_dma source(%arg8 : memref<100x128xf32, #tpu.memory_space<vmem>>) target(%dma_start3A_59 : memref<100x128xf32, #tpu.memory_space<vmem_shared>>) target_semaphore(%run_scoped3A : memref<!tpu.dma_semaphore, #tpu.memory_space<semaphore_mem>>)
      %dma_wait3A = arith.constant 0 : i32
      %dma_wait3A_60 = tpu.memref_slice %arg10[%add3A_16, %dma_wait3A] : memref<10000x128xf32, #tpu.memory_space<vmem_shared>> -> memref<100x128xf32, #tpu.memory_space<vmem_shared>>
      %dma_wait3A_61 = arith.constant 0 : i32
      %dma_wait3A_62 = tpu.memref_slice %arg10[%add3A_16, %dma_wait3A_61] : memref<10000x128xf32, #tpu.memory_space<vmem_shared>> -> memref<100x128xf32, #tpu.memory_space<vmem_shared>>
      tpu.wait_dma2 semaphore(%run_scoped3A : memref<!tpu.dma_semaphore, #tpu.memory_space<semaphore_mem>>) src(%arg8 : memref<100x128xf32, #tpu.memory_space<vmem>>) dst(%dma_wait3A_62 : memref<100x128xf32, #tpu.memory_space<vmem_shared>>)
      tpu.yield
    }) : () -> ()
    %mul3A_17 = arith.constant 625 : i32
    %mul3A_18 = arith.muli %arg1, %mul3A_17 : i32
    %add3A_19 = arith.constant 300 : i32
    %add3A_20 = arith.addi %mul3A_18, %add3A_19 : i32
    "tpu.region"() ({
      %run_scoped3A = tpu.sem_alloc : memref<!tpu.dma_semaphore, #tpu.memory_space<semaphore_mem>>
      %dma_start3A_56 = arith.constant 0 : i32
      %dma_start3A_57 = tpu.memref_slice %arg10[%add3A_20, %dma_start3A_56] : memref<10000x128xf32, #tpu.memory_space<vmem_shared>> -> memref<100x128xf32, #tpu.memory_space<vmem_shared>>
      %dma_start3A_58 = arith.constant 0 : i32
      %dma_start3A_59 = tpu.memref_slice %arg10[%add3A_20, %dma_start3A_58] : memref<10000x128xf32, #tpu.memory_space<vmem_shared>> -> memref<100x128xf32, #tpu.memory_space<vmem_shared>>
      tpu.enqueue_dma source(%arg8 : memref<100x128xf32, #tpu.memory_space<vmem>>) target(%dma_start3A_59 : memref<100x128xf32, #tpu.memory_space<vmem_shared>>) target_semaphore(%run_scoped3A : memref<!tpu.dma_semaphore, #tpu.memory_space<semaphore_mem>>)
      %dma_wait3A = arith.constant 0 : i32
      %dma_wait3A_60 = tpu.memref_slice %arg10[%add3A_20, %dma_wait3A] : memref<10000x128xf32, #tpu.memory_space<vmem_shared>> -> memref<100x128xf32, #tpu.memory_space<vmem_shared>>
      %dma_wait3A_61 = arith.constant 0 : i32
      %dma_wait3A_62 = tpu.memref_slice %arg10[%add3A_20, %dma_wait3A_61] : memref<10000x128xf32, #tpu.memory_space<vmem_shared>> -> memref<100x128xf32, #tpu.memory_space<vmem_shared>>
      tpu.wait_dma2 semaphore(%run_scoped3A : memref<!tpu.dma_semaphore, #tpu.memory_space<semaphore_mem>>) src(%arg8 : memref<100x128xf32, #tpu.memory_space<vmem>>) dst(%dma_wait3A_62 : memref<100x128xf32, #tpu.memory_space<vmem_shared>>)
      tpu.yield
    }) : () -> ()
    %mul3A_21 = arith.constant 625 : i32
    %mul3A_22 = arith.muli %arg1, %mul3A_21 : i32
    %add3A_23 = arith.constant 400 : i32
    %add3A_24 = arith.addi %mul3A_22, %add3A_23 : i32
    "tpu.region"() ({
      %run_scoped3A = tpu.sem_alloc : memref<!tpu.dma_semaphore, #tpu.memory_space<semaphore_mem>>
      %dma_start3A_56 = arith.constant 0 : i32
      %dma_start3A_57 = tpu.memref_slice %arg10[%add3A_24, %dma_start3A_56] : memref<10000x128xf32, #tpu.memory_space<vmem_shared>> -> memref<100x128xf32, #tpu.memory_space<vmem_shared>>
      %dma_start3A_58 = arith.constant 0 : i32
      %dma_start3A_59 = tpu.memref_slice %arg10[%add3A_24, %dma_start3A_58] : memref<10000x128xf32, #tpu.memory_space<vmem_shared>> -> memref<100x128xf32, #tpu.memory_space<vmem_shared>>
      tpu.enqueue_dma source(%arg8 : memref<100x128xf32, #tpu.memory_space<vmem>>) target(%dma_start3A_59 : memref<100x128xf32, #tpu.memory_space<vmem_shared>>) target_semaphore(%run_scoped3A : memref<!tpu.dma_semaphore, #tpu.memory_space<semaphore_mem>>)
      %dma_wait3A = arith.constant 0 : i32
      %dma_wait3A_60 = tpu.memref_slice %arg10[%add3A_24, %dma_wait3A] : memref<10000x128xf32, #tpu.memory_space<vmem_shared>> -> memref<100x128xf32, #tpu.memory_space<vmem_shared>>
      %dma_wait3A_61 = arith.constant 0 : i32
      %dma_wait3A_62 = tpu.memref_slice %arg10[%add3A_24, %dma_wait3A_61] : memref<10000x128xf32, #tpu.memory_space<vmem_shared>> -> memref<100x128xf32, #tpu.memory_space<vmem_shared>>
      tpu.wait_dma2 semaphore(%run_scoped3A : memref<!tpu.dma_semaphore, #tpu.memory_space<semaphore_mem>>) src(%arg8 : memref<100x128xf32, #tpu.memory_space<vmem>>) dst(%dma_wait3A_62 : memref<100x128xf32, #tpu.memory_space<vmem_shared>>)
      tpu.yield
    }) : () -> ()
    %mul3A_25 = arith.constant 625 : i32
    %mul3A_26 = arith.muli %arg1, %mul3A_25 : i32
    %add3A_27 = arith.constant 500 : i32
    %add3A_28 = arith.addi %mul3A_26, %add3A_27 : i32
    "tpu.region"() ({
      %run_scoped3A = tpu.sem_alloc : memref<!tpu.dma_semaphore, #tpu.memory_space<semaphore_mem>>
      %dma_start3A_56 = arith.constant 0 : i32
      %dma_start3A_57 = tpu.memref_slice %arg10[%add3A_28, %dma_start3A_56] : memref<10000x128xf32, #tpu.memory_space<vmem_shared>> -> memref<100x128xf32, #tpu.memory_space<vmem_shared>>
      %dma_start3A_58 = arith.constant 0 : i32
      %dma_start3A_59 = tpu.memref_slice %arg10[%add3A_28, %dma_start3A_58] : memref<10000x128xf32, #tpu.memory_space<vmem_shared>> -> memref<100x128xf32, #tpu.memory_space<vmem_shared>>
      tpu.enqueue_dma source(%arg8 : memref<100x128xf32, #tpu.memory_space<vmem>>) target(%dma_start3A_59 : memref<100x128xf32, #tpu.memory_space<vmem_shared>>) target_semaphore(%run_scoped3A : memref<!tpu.dma_semaphore, #tpu.memory_space<semaphore_mem>>)
      %dma_wait3A = arith.constant 0 : i32
      %dma_wait3A_60 = tpu.memref_slice %arg10[%add3A_28, %dma_wait3A] : memref<10000x128xf32, #tpu.memory_space<vmem_shared>> -> memref<100x128xf32, #tpu.memory_space<vmem_shared>>
      %dma_wait3A_61 = arith.constant 0 : i32
      %dma_wait3A_62 = tpu.memref_slice %arg10[%add3A_28, %dma_wait3A_61] : memref<10000x128xf32, #tpu.memory_space<vmem_shared>> -> memref<100x128xf32, #tpu.memory_space<vmem_shared>>
      tpu.wait_dma2 semaphore(%run_scoped3A : memref<!tpu.dma_semaphore, #tpu.memory_space<semaphore_mem>>) src(%arg8 : memref<100x128xf32, #tpu.memory_space<vmem>>) dst(%dma_wait3A_62 : memref<100x128xf32, #tpu.memory_space<vmem_shared>>)
      tpu.yield
    }) : () -> ()
    %mul3A_29 = arith.constant 625 : i32
    %mul3A_30 = arith.muli %arg1, %mul3A_29 : i32
    %add3A_31 = arith.constant 600 : i32
    %add3A_32 = arith.addi %mul3A_30, %add3A_31 : i32
    "tpu.region"() ({
      %run_scoped3A = tpu.sem_alloc : memref<!tpu.dma_semaphore, #tpu.memory_space<semaphore_mem>>
      %dma_start3A_56 = arith.constant 0 : i32
      %dma_start3A_57 = arith.constant 0 : i32
      %dma_start3A_58 = tpu.memref_slice %arg8[%dma_start3A_56, %dma_start3A_57] : memref<100x128xf32, #tpu.memory_space<vmem>> -> memref<25x128xf32, #tpu.memory_space<vmem>>
      %dma_start3A_59 = arith.constant 0 : i32
      %dma_start3A_60 = tpu.memref_slice %arg10[%add3A_32, %dma_start3A_59] : memref<10000x128xf32, #tpu.memory_space<vmem_shared>> -> memref<25x128xf32, #tpu.memory_space<vmem_shared>>
      %dma_start3A_61 = arith.constant 0 : i32
      %dma_start3A_62 = tpu.memref_slice %arg10[%add3A_32, %dma_start3A_61] : memref<10000x128xf32, #tpu.memory_space<vmem_shared>> -> memref<25x128xf32, #tpu.memory_space<vmem_shared>>
      %dma_start3A_63 = arith.constant 0 : i32
      %dma_start3A_64 = arith.constant 0 : i32
      %dma_start3A_65 = tpu.memref_slice %arg8[%dma_start3A_63, %dma_start3A_64] : memref<100x128xf32, #tpu.memory_space<vmem>> -> memref<25x128xf32, #tpu.memory_space<vmem>>
      tpu.enqueue_dma source(%dma_start3A_65 : memref<25x128xf32, #tpu.memory_space<vmem>>) target(%dma_start3A_62 : memref<25x128xf32, #tpu.memory_space<vmem_shared>>) target_semaphore(%run_scoped3A : memref<!tpu.dma_semaphore, #tpu.memory_space<semaphore_mem>>)
      %dma_wait3A = arith.constant 0 : i32
      %dma_wait3A_66 = arith.constant 0 : i32
      %dma_wait3A_67 = tpu.memref_slice %arg8[%dma_wait3A, %dma_wait3A_66] : memref<100x128xf32, #tpu.memory_space<vmem>> -> memref<25x128xf32, #tpu.memory_space<vmem>>
      %dma_wait3A_68 = arith.constant 0 : i32
      %dma_wait3A_69 = tpu.memref_slice %arg10[%add3A_32, %dma_wait3A_68] : memref<10000x128xf32, #tpu.memory_space<vmem_shared>> -> memref<25x128xf32, #tpu.memory_space<vmem_shared>>
      %dma_wait3A_70 = arith.constant 0 : i32
      %dma_wait3A_71 = tpu.memref_slice %arg10[%add3A_32, %dma_wait3A_70] : memref<10000x128xf32, #tpu.memory_space<vmem_shared>> -> memref<25x128xf32, #tpu.memory_space<vmem_shared>>
      %dma_wait3A_72 = arith.constant 0 : i32
      %dma_wait3A_73 = arith.constant 0 : i32
      %dma_wait3A_74 = tpu.memref_slice %arg8[%dma_wait3A_72, %dma_wait3A_73] : memref<100x128xf32, #tpu.memory_space<vmem>> -> memref<25x128xf32, #tpu.memory_space<vmem>>
      tpu.wait_dma2 semaphore(%run_scoped3A : memref<!tpu.dma_semaphore, #tpu.memory_space<semaphore_mem>>) src(%dma_wait3A_74 : memref<25x128xf32, #tpu.memory_space<vmem>>) dst(%dma_wait3A_71 : memref<25x128xf32, #tpu.memory_space<vmem_shared>>)
      tpu.yield
    }) : () -> ()
    %dma_start3A = arith.constant 0 : i32
    %dma_start3A_33 = arith.constant 0 : i32
    %dma_start3A_34 = tpu.memref_slice %arg6[%dma_start3A, %dma_start3A_33] : memref<100x100xi32, #tpu.memory_space<vmem>> -> memref<1x100xi32, #tpu.memory_space<vmem>>
    %dma_start3A_35 = tpu.memref_squeeze %dma_start3A_34 : memref<1x100xi32, #tpu.memory_space<vmem>> -> memref<100xi32, #tpu.memory_space<vmem>>
    %dma_start3A_36 = arith.constant 0 : i32
    %dma_start3A_37 = arith.constant 0 : i32
    %dma_start3A_38 = tpu.memref_slice %arg4[%dma_start3A_36, %dma_start3A_37] : memref<10000x128xf32, #tpu.memory_space<hbm>> -> memref<10000x128xf32, #tpu.memory_space<hbm>>
    tpu.enqueue_indirect_dma source(%dma_start3A_38 : memref<10000x128xf32, #tpu.memory_space<hbm>>) target(%arg8 : memref<100x128xf32, #tpu.memory_space<vmem>>) offsets(%dma_start3A_35 : memref<100xi32, #tpu.memory_space<vmem>>) semaphore(%arg11 : memref<!tpu.dma_semaphore, #tpu.memory_space<semaphore_mem>>)
    %dma_start3A_39 = arith.constant 1 : i32
    %dma_start3A_40 = arith.constant 0 : i32
    %dma_start3A_41 = tpu.memref_slice %arg6[%dma_start3A_39, %dma_start3A_40] : memref<100x100xi32, #tpu.memory_space<vmem>> -> memref<1x100xi32, #tpu.memory_space<vmem>>
    %dma_start3A_42 = tpu.memref_squeeze %dma_start3A_41 : memref<1x100xi32, #tpu.memory_space<vmem>> -> memref<100xi32, #tpu.memory_space<vmem>>
    %dma_start3A_43 = arith.constant 0 : i32
    %dma_start3A_44 = arith.constant 0 : i32
    %dma_start3A_45 = tpu.memref_slice %arg4[%dma_start3A_43, %dma_start3A_44] : memref<10000x128xf32, #tpu.memory_space<hbm>> -> memref<10000x128xf32, #tpu.memory_space<hbm>>
    tpu.enqueue_indirect_dma source(%dma_start3A_45 : memref<10000x128xf32, #tpu.memory_space<hbm>>) target(%arg9 : memref<100x128xf32, #tpu.memory_space<vmem>>) offsets(%dma_start3A_42 : memref<100xi32, #tpu.memory_space<vmem>>) semaphore(%arg12 : memref<!tpu.dma_semaphore, #tpu.memory_space<semaphore_mem>>)
    %barrier3A = arith.constant 0 : index
    tpu.barrier barrier_id(%barrier3A)
    %scan3A_46 = arith.constant 0 : i32
    %scan3A_47 = arith.constant 50 : i32
    %scan3A_48 = arith.addi %scan3A_46, %scan3A_47 : i32
    %scan3A_49 = arith.constant 1 : i32
    scf.for %scan3A_56 = %scan3A_46 to %scan3A_48 step %scan3A_49  : i32 {
      %mul3A_57 = arith.constant 2 : i32
      %mul3A_58 = arith.muli %scan3A_56, %mul3A_57 : i32
      %add3A_59 = arith.constant 0 : i32
      %add3A_60 = arith.addi %add3A_59, %mul3A_58 : i32
      %dma_wait3A = arith.constant 0 : i32
      %dma_wait3A_61 = tpu.memref_slice %arg6[%add3A_60, %dma_wait3A] : memref<100x100xi32, #tpu.memory_space<vmem>> -> memref<1x100xi32, #tpu.memory_space<vmem>>
      %dma_wait3A_62 = tpu.memref_squeeze %dma_wait3A_61 : memref<1x100xi32, #tpu.memory_space<vmem>> -> memref<100xi32, #tpu.memory_space<vmem>>
      %dma_wait3A_63 = arith.constant 0 : i32
      %dma_wait3A_64 = arith.constant 0 : i32
      %dma_wait3A_65 = tpu.memref_slice %arg4[%dma_wait3A_63, %dma_wait3A_64] : memref<10000x128xf32, #tpu.memory_space<hbm>> -> memref<10000x128xf32, #tpu.memory_space<hbm>>
      tpu.wait_indirect_dma semaphore(%arg11 : memref<!tpu.dma_semaphore, #tpu.memory_space<semaphore_mem>>) src(%dma_wait3A_65 : memref<10000x128xf32, #tpu.memory_space<hbm>>) dst(%arg8 : memref<100x128xf32, #tpu.memory_space<vmem>>)
      "tpu.region"() ({
        %run_scoped3A = tpu.sem_alloc : memref<!tpu.dma_semaphore, #tpu.memory_space<semaphore_mem>>
        %dma_start3A_87 = arith.constant 0 : i32
        %dma_start3A_88 = tpu.memref_slice %arg7[%add3A_60, %dma_start3A_87] : memref<100x100xi32, #tpu.memory_space<vmem>> -> memref<1x100xi32, #tpu.memory_space<vmem>>
        %dma_start3A_89 = tpu.memref_squeeze %dma_start3A_88 : memref<1x100xi32, #tpu.memory_space<vmem>> -> memref<100xi32, #tpu.memory_space<vmem>>
        %dma_start3A_90 = arith.constant 0 : i32
        %dma_start3A_91 = arith.constant 0 : i32
        %dma_start3A_92 = tpu.memref_slice %arg10[%dma_start3A_90, %dma_start3A_91] : memref<10000x128xf32, #tpu.memory_space<vmem_shared>> -> memref<10000x128xf32, #tpu.memory_space<vmem_shared>>
        tpu.enqueue_indirect_dma source(%arg8 : memref<100x128xf32, #tpu.memory_space<vmem>>) target(%dma_start3A_92 : memref<10000x128xf32, #tpu.memory_space<vmem_shared>>) offsets(%dma_start3A_89 : memref<100xi32, #tpu.memory_space<vmem>>) semaphore(%run_scoped3A : memref<!tpu.dma_semaphore, #tpu.memory_space<semaphore_mem>>) {add = true}
        %dma_wait3A_93 = arith.constant 0 : i32
        %dma_wait3A_94 = tpu.memref_slice %arg7[%add3A_60, %dma_wait3A_93] : memref<100x100xi32, #tpu.memory_space<vmem>> -> memref<1x100xi32, #tpu.memory_space<vmem>>
        %dma_wait3A_95 = tpu.memref_squeeze %dma_wait3A_94 : memref<1x100xi32, #tpu.memory_space<vmem>> -> memref<100xi32, #tpu.memory_space<vmem>>
        %dma_wait3A_96 = arith.constant 0 : i32
        %dma_wait3A_97 = arith.constant 0 : i32
        %dma_wait3A_98 = tpu.memref_slice %arg10[%dma_wait3A_96, %dma_wait3A_97] : memref<10000x128xf32, #tpu.memory_space<vmem_shared>> -> memref<10000x128xf32, #tpu.memory_space<vmem_shared>>
        tpu.wait_indirect_dma semaphore(%run_scoped3A : memref<!tpu.dma_semaphore, #tpu.memory_space<semaphore_mem>>) src(%arg8 : memref<100x128xf32, #tpu.memory_space<vmem>>) dst(%dma_wait3A_98 : memref<10000x128xf32, #tpu.memory_space<vmem_shared>>)
        tpu.yield
      }) : () -> ()
      %add3A_66 = arith.constant 2 : i32
      %add3A_67 = arith.addi %add3A_60, %add3A_66 : i32
      %lt3A = arith.constant 100 : i32
      %lt3A_68 = arith.cmpi slt, %add3A_67, %lt3A : i32
      %convert_element_type3A = arith.extui %lt3A_68 : i1 to i32
      %cond3A = arith.constant 0 : i32
      %cond3A_69 = arith.cmpi ne, %convert_element_type3A, %cond3A : i32
      scf.if %cond3A_69 {
        %add3A_87 = arith.constant 2 : i32
        %add3A_88 = arith.addi %add3A_60, %add3A_87 : i32
        %dma_start3A_89 = arith.constant 0 : i32
        %dma_start3A_90 = tpu.memref_slice %arg6[%add3A_88, %dma_start3A_89] : memref<100x100xi32, #tpu.memory_space<vmem>> -> memref<1x100xi32, #tpu.memory_space<vmem>>
        %dma_start3A_91 = tpu.memref_squeeze %dma_start3A_90 : memref<1x100xi32, #tpu.memory_space<vmem>> -> memref<100xi32, #tpu.memory_space<vmem>>
        %dma_start3A_92 = arith.constant 0 : i32
        %dma_start3A_93 = arith.constant 0 : i32
        %dma_start3A_94 = tpu.memref_slice %arg4[%dma_start3A_92, %dma_start3A_93] : memref<10000x128xf32, #tpu.memory_space<hbm>> -> memref<10000x128xf32, #tpu.memory_space<hbm>>
        tpu.enqueue_indirect_dma source(%dma_start3A_94 : memref<10000x128xf32, #tpu.memory_space<hbm>>) target(%arg8 : memref<100x128xf32, #tpu.memory_space<vmem>>) offsets(%dma_start3A_91 : memref<100xi32, #tpu.memory_space<vmem>>) semaphore(%arg11 : memref<!tpu.dma_semaphore, #tpu.memory_space<semaphore_mem>>)
      } else {
      }
      %add3A_70 = arith.constant 1 : i32
      %add3A_71 = arith.addi %add3A_60, %add3A_70 : i32
      %dma_wait3A_72 = arith.constant 0 : i32
      %dma_wait3A_73 = tpu.memref_slice %arg6[%add3A_71, %dma_wait3A_72] : memref<100x100xi32, #tpu.memory_space<vmem>> -> memref<1x100xi32, #tpu.memory_space<vmem>>
      %dma_wait3A_74 = tpu.memref_squeeze %dma_wait3A_73 : memref<1x100xi32, #tpu.memory_space<vmem>> -> memref<100xi32, #tpu.memory_space<vmem>>
      %dma_wait3A_75 = arith.constant 0 : i32
      %dma_wait3A_76 = arith.constant 0 : i32
      %dma_wait3A_77 = tpu.memref_slice %arg4[%dma_wait3A_75, %dma_wait3A_76] : memref<10000x128xf32, #tpu.memory_space<hbm>> -> memref<10000x128xf32, #tpu.memory_space<hbm>>
      tpu.wait_indirect_dma semaphore(%arg12 : memref<!tpu.dma_semaphore, #tpu.memory_space<semaphore_mem>>) src(%dma_wait3A_77 : memref<10000x128xf32, #tpu.memory_space<hbm>>) dst(%arg9 : memref<100x128xf32, #tpu.memory_space<vmem>>)
      %add3A_78 = arith.constant 1 : i32
      %add3A_79 = arith.addi %add3A_60, %add3A_78 : i32
      "tpu.region"() ({
        %run_scoped3A = tpu.sem_alloc : memref<!tpu.dma_semaphore, #tpu.memory_space<semaphore_mem>>
        %dma_start3A_87 = arith.constant 0 : i32
        %dma_start3A_88 = tpu.memref_slice %arg7[%add3A_79, %dma_start3A_87] : memref<100x100xi32, #tpu.memory_space<vmem>> -> memref<1x100xi32, #tpu.memory_space<vmem>>
        %dma_start3A_89 = tpu.memref_squeeze %dma_start3A_88 : memref<1x100xi32, #tpu.memory_space<vmem>> -> memref<100xi32, #tpu.memory_space<vmem>>
        %dma_start3A_90 = arith.constant 0 : i32
        %dma_start3A_91 = arith.constant 0 : i32
        %dma_start3A_92 = tpu.memref_slice %arg10[%dma_start3A_90, %dma_start3A_91] : memref<10000x128xf32, #tpu.memory_space<vmem_shared>> -> memref<10000x128xf32, #tpu.memory_space<vmem_shared>>
        tpu.enqueue_indirect_dma source(%arg9 : memref<100x128xf32, #tpu.memory_space<vmem>>) target(%dma_start3A_92 : memref<10000x128xf32, #tpu.memory_space<vmem_shared>>) offsets(%dma_start3A_89 : memref<100xi32, #tpu.memory_space<vmem>>) semaphore(%run_scoped3A : memref<!tpu.dma_semaphore, #tpu.memory_space<semaphore_mem>>) {add = true}
        %dma_wait3A_93 = arith.constant 0 : i32
        %dma_wait3A_94 = tpu.memref_slice %arg7[%add3A_79, %dma_wait3A_93] : memref<100x100xi32, #tpu.memory_space<vmem>> -> memref<1x100xi32, #tpu.memory_space<vmem>>
        %dma_wait3A_95 = tpu.memref_squeeze %dma_wait3A_94 : memref<1x100xi32, #tpu.memory_space<vmem>> -> memref<100xi32, #tpu.memory_space<vmem>>
        %dma_wait3A_96 = arith.constant 0 : i32
        %dma_wait3A_97 = arith.constant 0 : i32
        %dma_wait3A_98 = tpu.memref_slice %arg10[%dma_wait3A_96, %dma_wait3A_97] : memref<10000x128xf32, #tpu.memory_space<vmem_shared>> -> memref<10000x128xf32, #tpu.memory_space<vmem_shared>>
        tpu.wait_indirect_dma semaphore(%run_scoped3A : memref<!tpu.dma_semaphore, #tpu.memory_space<semaphore_mem>>) src(%arg9 : memref<100x128xf32, #tpu.memory_space<vmem>>) dst(%dma_wait3A_98 : memref<10000x128xf32, #tpu.memory_space<vmem_shared>>)
        tpu.yield
      }) : () -> ()
      %add3A_80 = arith.constant 2 : i32
      %add3A_81 = arith.addi %add3A_60, %add3A_80 : i32
      %lt3A_82 = arith.constant 100 : i32
      %lt3A_83 = arith.cmpi slt, %add3A_81, %lt3A_82 : i32
      %convert_element_type3A_84 = arith.extui %lt3A_83 : i1 to i32
      %cond3A_85 = arith.constant 0 : i32
      %cond3A_86 = arith.cmpi ne, %convert_element_type3A_84, %cond3A_85 : i32
      scf.if %cond3A_86 {
        %add3A_87 = arith.constant 3 : i32
        %add3A_88 = arith.addi %add3A_60, %add3A_87 : i32
        %dma_start3A_89 = arith.constant 0 : i32
        %dma_start3A_90 = tpu.memref_slice %arg6[%add3A_88, %dma_start3A_89] : memref<100x100xi32, #tpu.memory_space<vmem>> -> memref<1x100xi32, #tpu.memory_space<vmem>>
        %dma_start3A_91 = tpu.memref_squeeze %dma_start3A_90 : memref<1x100xi32, #tpu.memory_space<vmem>> -> memref<100xi32, #tpu.memory_space<vmem>>
        %dma_start3A_92 = arith.constant 0 : i32
        %dma_start3A_93 = arith.constant 0 : i32
        %dma_start3A_94 = tpu.memref_slice %arg4[%dma_start3A_92, %dma_start3A_93] : memref<10000x128xf32, #tpu.memory_space<hbm>> -> memref<10000x128xf32, #tpu.memory_space<hbm>>
        tpu.enqueue_indirect_dma source(%dma_start3A_94 : memref<10000x128xf32, #tpu.memory_space<hbm>>) target(%arg9 : memref<100x128xf32, #tpu.memory_space<vmem>>) offsets(%dma_start3A_91 : memref<100xi32, #tpu.memory_space<vmem>>) semaphore(%arg12 : memref<!tpu.dma_semaphore, #tpu.memory_space<semaphore_mem>>)
      } else {
      }
    }
    %scan3A_50 = arith.constant 50 : i32
    %barrier3A_51 = arith.constant 0 : index
    tpu.barrier barrier_id(%barrier3A_51)
    %mul3A_52 = arith.constant 625 : i32
    %mul3A_53 = arith.muli %arg1, %mul3A_52 : i32
    %mul3A_54 = arith.constant 625 : i32
    %mul3A_55 = arith.muli %arg1, %mul3A_54 : i32
    "tpu.region"() ({
      %run_scoped3A = tpu.sem_alloc : memref<!tpu.dma_semaphore, #tpu.memory_space<semaphore_mem>>
      %dma_start3A_56 = arith.constant 0 : i32
      %dma_start3A_57 = tpu.memref_slice %arg5[%arg0, %mul3A_55, %dma_start3A_56] : memref<2x10000x128xf32, #tpu.memory_space<hbm>> -> memref<1x625x128xf32, #tpu.memory_space<hbm>>
      %dma_start3A_58 = tpu.memref_squeeze %dma_start3A_57 : memref<1x625x128xf32, #tpu.memory_space<hbm>> -> memref<625x128xf32, #tpu.memory_space<hbm>>
      %dma_start3A_59 = arith.constant 0 : i32
      %dma_start3A_60 = tpu.memref_slice %arg10[%mul3A_53, %dma_start3A_59] : memref<10000x128xf32, #tpu.memory_space<vmem_shared>> -> memref<625x128xf32, #tpu.memory_space<vmem_shared>>
      tpu.enqueue_dma source(%dma_start3A_60 : memref<625x128xf32, #tpu.memory_space<vmem_shared>>) target(%dma_start3A_58 : memref<625x128xf32, #tpu.memory_space<hbm>>) target_semaphore(%run_scoped3A : memref<!tpu.dma_semaphore, #tpu.memory_space<semaphore_mem>>)
      %dma_wait3A = arith.constant 0 : i32
      %dma_wait3A_61 = tpu.memref_slice %arg5[%arg0, %mul3A_55, %dma_wait3A] : memref<2x10000x128xf32, #tpu.memory_space<hbm>> -> memref<1x625x128xf32, #tpu.memory_space<hbm>>
      %dma_wait3A_62 = tpu.memref_squeeze %dma_wait3A_61 : memref<1x625x128xf32, #tpu.memory_space<hbm>> -> memref<625x128xf32, #tpu.memory_space<hbm>>
      %dma_wait3A_63 = arith.constant 0 : i32
      %dma_wait3A_64 = tpu.memref_slice %arg10[%mul3A_53, %dma_wait3A_63] : memref<10000x128xf32, #tpu.memory_space<vmem_shared>> -> memref<625x128xf32, #tpu.memory_space<vmem_shared>>
      tpu.wait_dma2 semaphore(%run_scoped3A : memref<!tpu.dma_semaphore, #tpu.memory_space<semaphore_mem>>) src(%dma_wait3A_64 : memref<625x128xf32, #tpu.memory_space<vmem_shared>>) dst(%dma_wait3A_62 : memref<625x128xf32, #tpu.memory_space<hbm>>)
      tpu.yield
    }) : () -> ()
    return
  }
}

#map = affine_map<(d0, d1) -> (0, 0, 0)>
#map1 = affine_map<(d0, d1) -> (0, 0)>
module attributes {stable_mosaic.version = 14 : i64} {
  func.func @_deg_body(%arg0: i32, %arg1: i32, %arg2: memref<32x100x100xi32, #tpu.memory_space<hbm>>, %arg3: memref<100x16xf32, #tpu.memory_space<hbm>>, %arg4: memref<2x10000x16xf32, #tpu.memory_space<hbm>>, %arg5: memref<100x100xi32, #tpu.memory_space<vmem>>, %arg6: memref<100x16xf32, #tpu.memory_space<vmem>>, %arg7: memref<125x16xf32, #tpu.memory_space<vmem>>, %arg8: memref<10000x16xf32, #tpu.memory_space<vmem_shared>>, %arg9: memref<!tpu.dma_semaphore, #tpu.memory_space<semaphore_mem>>) attributes {dimension_semantics = [#tpu.dimension_semantics<core_parallel>, #tpu.dimension_semantics<subcore_parallel>], iteration_bounds = array<i64: 2, 16>, scalar_prefetch = 0 : i64, scratch_operands = 5 : i64, tpu.core_type = #tpu.core_type<sc_vector_subcore>, window_params = [{transform_indices = #map}, {transform_indices = #map1}, {transform_indices = #map}]} {
    %mul3A = arith.constant 2 : i32
    %mul3A_0 = arith.muli %arg1, %mul3A : i32
    %add3A = arith.addi %mul3A_0, %arg0 : i32
    "tpu.region"() ({
      %run_scoped3A = tpu.sem_alloc : memref<!tpu.dma_semaphore, #tpu.memory_space<semaphore_mem>>
      %dma_start3A = arith.constant 0 : i32
      %dma_start3A_40 = arith.constant 0 : i32
      %dma_start3A_41 = tpu.memref_slice %arg2[%add3A, %dma_start3A, %dma_start3A_40] : memref<32x100x100xi32, #tpu.memory_space<hbm>> -> memref<1x100x100xi32, #tpu.memory_space<hbm>>
      %dma_start3A_42 = tpu.memref_squeeze %dma_start3A_41 : memref<1x100x100xi32, #tpu.memory_space<hbm>> -> memref<100x100xi32, #tpu.memory_space<hbm>>
      %dma_start3A_43 = arith.constant 0 : i32
      %dma_start3A_44 = arith.constant 0 : i32
      %dma_start3A_45 = tpu.memref_slice %arg2[%add3A, %dma_start3A_43, %dma_start3A_44] : memref<32x100x100xi32, #tpu.memory_space<hbm>> -> memref<1x100x100xi32, #tpu.memory_space<hbm>>
      %dma_start3A_46 = tpu.memref_squeeze %dma_start3A_45 : memref<1x100x100xi32, #tpu.memory_space<hbm>> -> memref<100x100xi32, #tpu.memory_space<hbm>>
      tpu.enqueue_dma source(%dma_start3A_46 : memref<100x100xi32, #tpu.memory_space<hbm>>) target(%arg5 : memref<100x100xi32, #tpu.memory_space<vmem>>) target_semaphore(%run_scoped3A : memref<!tpu.dma_semaphore, #tpu.memory_space<semaphore_mem>>)
      %dma_wait3A = arith.constant 0 : i32
      %dma_wait3A_47 = arith.constant 0 : i32
      %dma_wait3A_48 = tpu.memref_slice %arg2[%add3A, %dma_wait3A, %dma_wait3A_47] : memref<32x100x100xi32, #tpu.memory_space<hbm>> -> memref<1x100x100xi32, #tpu.memory_space<hbm>>
      %dma_wait3A_49 = tpu.memref_squeeze %dma_wait3A_48 : memref<1x100x100xi32, #tpu.memory_space<hbm>> -> memref<100x100xi32, #tpu.memory_space<hbm>>
      %dma_wait3A_50 = arith.constant 0 : i32
      %dma_wait3A_51 = arith.constant 0 : i32
      %dma_wait3A_52 = tpu.memref_slice %arg2[%add3A, %dma_wait3A_50, %dma_wait3A_51] : memref<32x100x100xi32, #tpu.memory_space<hbm>> -> memref<1x100x100xi32, #tpu.memory_space<hbm>>
      %dma_wait3A_53 = tpu.memref_squeeze %dma_wait3A_52 : memref<1x100x100xi32, #tpu.memory_space<hbm>> -> memref<100x100xi32, #tpu.memory_space<hbm>>
      tpu.wait_dma2 semaphore(%run_scoped3A : memref<!tpu.dma_semaphore, #tpu.memory_space<semaphore_mem>>) src(%dma_wait3A_53 : memref<100x100xi32, #tpu.memory_space<hbm>>) dst(%arg5 : memref<100x100xi32, #tpu.memory_space<vmem>>)
      tpu.yield
    }) : () -> ()
    "tpu.region"() ({
      %run_scoped3A = tpu.sem_alloc : memref<!tpu.dma_semaphore, #tpu.memory_space<semaphore_mem>>
      tpu.enqueue_dma source(%arg3 : memref<100x16xf32, #tpu.memory_space<hbm>>) target(%arg6 : memref<100x16xf32, #tpu.memory_space<vmem>>) target_semaphore(%run_scoped3A : memref<!tpu.dma_semaphore, #tpu.memory_space<semaphore_mem>>)
      tpu.wait_dma2 semaphore(%run_scoped3A : memref<!tpu.dma_semaphore, #tpu.memory_space<semaphore_mem>>) src(%arg3 : memref<100x16xf32, #tpu.memory_space<hbm>>) dst(%arg6 : memref<100x16xf32, #tpu.memory_space<vmem>>)
      tpu.yield
    }) : () -> ()
    %scan3A = arith.constant 0 : i32
    %scan3A_1 = arith.constant 125 : i32
    %scan3A_2 = arith.addi %scan3A, %scan3A_1 : i32
    %scan3A_3 = arith.constant 1 : i32
    scf.for %scan3A_40 = %scan3A to %scan3A_2 step %scan3A_3  : i32 {
      %mul3A_41 = arith.constant 1 : i32
      %mul3A_42 = arith.muli %scan3A_40, %mul3A_41 : i32
      %add3A_43 = arith.constant 0 : i32
      %add3A_44 = arith.addi %add3A_43, %mul3A_42 : i32
      %broadcast_in_dim3A = arith.constant 0.000000e+00 : f32
      %broadcast_in_dim3A_45 = vector.broadcast %broadcast_in_dim3A : f32 to vector<16xf32>
      %swap3A = arith.index_cast %add3A_44 : i32 to index
      %swap3A_46 = arith.constant 0 : index
      %swap3A_47 = tpu.vector_load %arg7[%swap3A, %swap3A_46] {strides = array<i32>} : memref<125x16xf32, #tpu.memory_space<vmem>>, vector<1x16xf32>,
      %swap3A_48 = vector.shape_cast %swap3A_47 : vector<1x16xf32> to vector<16xf32>
      %swap3A_49 = vector.shape_cast %broadcast_in_dim3A_45 : vector<16xf32> to vector<1x16xf32>
      tpu.vector_store %arg7[%swap3A, %swap3A_46], %swap3A_49 {strides = array<i32>} : memref<125x16xf32, #tpu.memory_space<vmem>>, vector<1x16xf32>,
    }
    %scan3A_4 = arith.constant 125 : i32
    %mul3A_5 = arith.constant 625 : i32
    %mul3A_6 = arith.muli %arg1, %mul3A_5 : i32
    %add3A_7 = arith.constant 0 : i32
    %add3A_8 = arith.addi %mul3A_6, %add3A_7 : i32
    "tpu.region"() ({
      %run_scoped3A = tpu.sem_alloc : memref<!tpu.dma_semaphore, #tpu.memory_space<semaphore_mem>>
      %dma_start3A = arith.constant 0 : i32
      %dma_start3A_40 = tpu.memref_slice %arg8[%add3A_8, %dma_start3A] : memref<10000x16xf32, #tpu.memory_space<vmem_shared>> -> memref<125x16xf32, #tpu.memory_space<vmem_shared>>
      %dma_start3A_41 = arith.constant 0 : i32
      %dma_start3A_42 = tpu.memref_slice %arg8[%add3A_8, %dma_start3A_41] : memref<10000x16xf32, #tpu.memory_space<vmem_shared>> -> memref<125x16xf32, #tpu.memory_space<vmem_shared>>
      tpu.enqueue_dma source(%arg7 : memref<125x16xf32, #tpu.memory_space<vmem>>) target(%dma_start3A_42 : memref<125x16xf32, #tpu.memory_space<vmem_shared>>) target_semaphore(%run_scoped3A : memref<!tpu.dma_semaphore, #tpu.memory_space<semaphore_mem>>)
      %dma_wait3A = arith.constant 0 : i32
      %dma_wait3A_43 = tpu.memref_slice %arg8[%add3A_8, %dma_wait3A] : memref<10000x16xf32, #tpu.memory_space<vmem_shared>> -> memref<125x16xf32, #tpu.memory_space<vmem_shared>>
      %dma_wait3A_44 = arith.constant 0 : i32
      %dma_wait3A_45 = tpu.memref_slice %arg8[%add3A_8, %dma_wait3A_44] : memref<10000x16xf32, #tpu.memory_space<vmem_shared>> -> memref<125x16xf32, #tpu.memory_space<vmem_shared>>
      tpu.wait_dma2 semaphore(%run_scoped3A : memref<!tpu.dma_semaphore, #tpu.memory_space<semaphore_mem>>) src(%arg7 : memref<125x16xf32, #tpu.memory_space<vmem>>) dst(%dma_wait3A_45 : memref<125x16xf32, #tpu.memory_space<vmem_shared>>)
      tpu.yield
    }) : () -> ()
    %mul3A_9 = arith.constant 625 : i32
    %mul3A_10 = arith.muli %arg1, %mul3A_9 : i32
    %add3A_11 = arith.constant 125 : i32
    %add3A_12 = arith.addi %mul3A_10, %add3A_11 : i32
    "tpu.region"() ({
      %run_scoped3A = tpu.sem_alloc : memref<!tpu.dma_semaphore, #tpu.memory_space<semaphore_mem>>
      %dma_start3A = arith.constant 0 : i32
      %dma_start3A_40 = tpu.memref_slice %arg8[%add3A_12, %dma_start3A] : memref<10000x16xf32, #tpu.memory_space<vmem_shared>> -> memref<125x16xf32, #tpu.memory_space<vmem_shared>>
      %dma_start3A_41 = arith.constant 0 : i32
      %dma_start3A_42 = tpu.memref_slice %arg8[%add3A_12, %dma_start3A_41] : memref<10000x16xf32, #tpu.memory_space<vmem_shared>> -> memref<125x16xf32, #tpu.memory_space<vmem_shared>>
      tpu.enqueue_dma source(%arg7 : memref<125x16xf32, #tpu.memory_space<vmem>>) target(%dma_start3A_42 : memref<125x16xf32, #tpu.memory_space<vmem_shared>>) target_semaphore(%run_scoped3A : memref<!tpu.dma_semaphore, #tpu.memory_space<semaphore_mem>>)
      %dma_wait3A = arith.constant 0 : i32
      %dma_wait3A_43 = tpu.memref_slice %arg8[%add3A_12, %dma_wait3A] : memref<10000x16xf32, #tpu.memory_space<vmem_shared>> -> memref<125x16xf32, #tpu.memory_space<vmem_shared>>
      %dma_wait3A_44 = arith.constant 0 : i32
      %dma_wait3A_45 = tpu.memref_slice %arg8[%add3A_12, %dma_wait3A_44] : memref<10000x16xf32, #tpu.memory_space<vmem_shared>> -> memref<125x16xf32, #tpu.memory_space<vmem_shared>>
      tpu.wait_dma2 semaphore(%run_scoped3A : memref<!tpu.dma_semaphore, #tpu.memory_space<semaphore_mem>>) src(%arg7 : memref<125x16xf32, #tpu.memory_space<vmem>>) dst(%dma_wait3A_45 : memref<125x16xf32, #tpu.memory_space<vmem_shared>>)
      tpu.yield
    }) : () -> ()
    %mul3A_13 = arith.constant 625 : i32
    %mul3A_14 = arith.muli %arg1, %mul3A_13 : i32
    %add3A_15 = arith.constant 250 : i32
    %add3A_16 = arith.addi %mul3A_14, %add3A_15 : i32
    "tpu.region"() ({
      %run_scoped3A = tpu.sem_alloc : memref<!tpu.dma_semaphore, #tpu.memory_space<semaphore_mem>>
      %dma_start3A = arith.constant 0 : i32
      %dma_start3A_40 = tpu.memref_slice %arg8[%add3A_16, %dma_start3A] : memref<10000x16xf32, #tpu.memory_space<vmem_shared>> -> memref<125x16xf32, #tpu.memory_space<vmem_shared>>
      %dma_start3A_41 = arith.constant 0 : i32
      %dma_start3A_42 = tpu.memref_slice %arg8[%add3A_16, %dma_start3A_41] : memref<10000x16xf32, #tpu.memory_space<vmem_shared>> -> memref<125x16xf32, #tpu.memory_space<vmem_shared>>
      tpu.enqueue_dma source(%arg7 : memref<125x16xf32, #tpu.memory_space<vmem>>) target(%dma_start3A_42 : memref<125x16xf32, #tpu.memory_space<vmem_shared>>) target_semaphore(%run_scoped3A : memref<!tpu.dma_semaphore, #tpu.memory_space<semaphore_mem>>)
      %dma_wait3A = arith.constant 0 : i32
      %dma_wait3A_43 = tpu.memref_slice %arg8[%add3A_16, %dma_wait3A] : memref<10000x16xf32, #tpu.memory_space<vmem_shared>> -> memref<125x16xf32, #tpu.memory_space<vmem_shared>>
      %dma_wait3A_44 = arith.constant 0 : i32
      %dma_wait3A_45 = tpu.memref_slice %arg8[%add3A_16, %dma_wait3A_44] : memref<10000x16xf32, #tpu.memory_space<vmem_shared>> -> memref<125x16xf32, #tpu.memory_space<vmem_shared>>
      tpu.wait_dma2 semaphore(%run_scoped3A : memref<!tpu.dma_semaphore, #tpu.memory_space<semaphore_mem>>) src(%arg7 : memref<125x16xf32, #tpu.memory_space<vmem>>) dst(%dma_wait3A_45 : memref<125x16xf32, #tpu.memory_space<vmem_shared>>)
      tpu.yield
    }) : () -> ()
    %mul3A_17 = arith.constant 625 : i32
    %mul3A_18 = arith.muli %arg1, %mul3A_17 : i32
    %add3A_19 = arith.constant 375 : i32
    %add3A_20 = arith.addi %mul3A_18, %add3A_19 : i32
    "tpu.region"() ({
      %run_scoped3A = tpu.sem_alloc : memref<!tpu.dma_semaphore, #tpu.memory_space<semaphore_mem>>
      %dma_start3A = arith.constant 0 : i32
      %dma_start3A_40 = tpu.memref_slice %arg8[%add3A_20, %dma_start3A] : memref<10000x16xf32, #tpu.memory_space<vmem_shared>> -> memref<125x16xf32, #tpu.memory_space<vmem_shared>>
      %dma_start3A_41 = arith.constant 0 : i32
      %dma_start3A_42 = tpu.memref_slice %arg8[%add3A_20, %dma_start3A_41] : memref<10000x16xf32, #tpu.memory_space<vmem_shared>> -> memref<125x16xf32, #tpu.memory_space<vmem_shared>>
      tpu.enqueue_dma source(%arg7 : memref<125x16xf32, #tpu.memory_space<vmem>>) target(%dma_start3A_42 : memref<125x16xf32, #tpu.memory_space<vmem_shared>>) target_semaphore(%run_scoped3A : memref<!tpu.dma_semaphore, #tpu.memory_space<semaphore_mem>>)
      %dma_wait3A = arith.constant 0 : i32
      %dma_wait3A_43 = tpu.memref_slice %arg8[%add3A_20, %dma_wait3A] : memref<10000x16xf32, #tpu.memory_space<vmem_shared>> -> memref<125x16xf32, #tpu.memory_space<vmem_shared>>
      %dma_wait3A_44 = arith.constant 0 : i32
      %dma_wait3A_45 = tpu.memref_slice %arg8[%add3A_20, %dma_wait3A_44] : memref<10000x16xf32, #tpu.memory_space<vmem_shared>> -> memref<125x16xf32, #tpu.memory_space<vmem_shared>>
      tpu.wait_dma2 semaphore(%run_scoped3A : memref<!tpu.dma_semaphore, #tpu.memory_space<semaphore_mem>>) src(%arg7 : memref<125x16xf32, #tpu.memory_space<vmem>>) dst(%dma_wait3A_45 : memref<125x16xf32, #tpu.memory_space<vmem_shared>>)
      tpu.yield
    }) : () -> ()
    %mul3A_21 = arith.constant 625 : i32
    %mul3A_22 = arith.muli %arg1, %mul3A_21 : i32
    %add3A_23 = arith.constant 500 : i32
    %add3A_24 = arith.addi %mul3A_22, %add3A_23 : i32
    "tpu.region"() ({
      %run_scoped3A = tpu.sem_alloc : memref<!tpu.dma_semaphore, #tpu.memory_space<semaphore_mem>>
      %dma_start3A = arith.constant 0 : i32
      %dma_start3A_40 = tpu.memref_slice %arg8[%add3A_24, %dma_start3A] : memref<10000x16xf32, #tpu.memory_space<vmem_shared>> -> memref<125x16xf32, #tpu.memory_space<vmem_shared>>
      %dma_start3A_41 = arith.constant 0 : i32
      %dma_start3A_42 = tpu.memref_slice %arg8[%add3A_24, %dma_start3A_41] : memref<10000x16xf32, #tpu.memory_space<vmem_shared>> -> memref<125x16xf32, #tpu.memory_space<vmem_shared>>
      tpu.enqueue_dma source(%arg7 : memref<125x16xf32, #tpu.memory_space<vmem>>) target(%dma_start3A_42 : memref<125x16xf32, #tpu.memory_space<vmem_shared>>) target_semaphore(%run_scoped3A : memref<!tpu.dma_semaphore, #tpu.memory_space<semaphore_mem>>)
      %dma_wait3A = arith.constant 0 : i32
      %dma_wait3A_43 = tpu.memref_slice %arg8[%add3A_24, %dma_wait3A] : memref<10000x16xf32, #tpu.memory_space<vmem_shared>> -> memref<125x16xf32, #tpu.memory_space<vmem_shared>>
      %dma_wait3A_44 = arith.constant 0 : i32
      %dma_wait3A_45 = tpu.memref_slice %arg8[%add3A_24, %dma_wait3A_44] : memref<10000x16xf32, #tpu.memory_space<vmem_shared>> -> memref<125x16xf32, #tpu.memory_space<vmem_shared>>
      tpu.wait_dma2 semaphore(%run_scoped3A : memref<!tpu.dma_semaphore, #tpu.memory_space<semaphore_mem>>) src(%arg7 : memref<125x16xf32, #tpu.memory_space<vmem>>) dst(%dma_wait3A_45 : memref<125x16xf32, #tpu.memory_space<vmem_shared>>)
      tpu.yield
    }) : () -> ()
    %barrier3A = arith.constant 0 : index
    tpu.barrier barrier_id(%barrier3A)
    %scan3A_25 = arith.constant 0 : i32
    %scan3A_26 = arith.constant 100 : i32
    %scan3A_27 = arith.addi %scan3A_25, %scan3A_26 : i32
    %scan3A_28 = arith.constant 1 : i32
    scf.for %scan3A_40 = %scan3A_25 to %scan3A_27 step %scan3A_28  : i32 {
      %mul3A_41 = arith.constant 1 : i32
      %mul3A_42 = arith.muli %scan3A_40, %mul3A_41 : i32
      %add3A_43 = arith.constant 0 : i32
      %add3A_44 = arith.addi %add3A_43, %mul3A_42 : i32
      %dma_start3A = arith.constant 0 : i32
      %dma_start3A_45 = tpu.memref_slice %arg5[%add3A_44, %dma_start3A] : memref<100x100xi32, #tpu.memory_space<vmem>> -> memref<1x100xi32, #tpu.memory_space<vmem>>
      %dma_start3A_46 = tpu.memref_squeeze %dma_start3A_45 : memref<1x100xi32, #tpu.memory_space<vmem>> -> memref<100xi32, #tpu.memory_space<vmem>>
      %dma_start3A_47 = arith.constant 0 : i32
      %dma_start3A_48 = arith.constant 0 : i32
      %dma_start3A_49 = tpu.memref_slice %arg8[%dma_start3A_47, %dma_start3A_48] : memref<10000x16xf32, #tpu.memory_space<vmem_shared>> -> memref<10000x16xf32, #tpu.memory_space<vmem_shared>>
      tpu.enqueue_indirect_dma source(%arg6 : memref<100x16xf32, #tpu.memory_space<vmem>>) target(%dma_start3A_49 : memref<10000x16xf32, #tpu.memory_space<vmem_shared>>) offsets(%dma_start3A_46 : memref<100xi32, #tpu.memory_space<vmem>>) semaphore(%arg9 : memref<!tpu.dma_semaphore, #tpu.memory_space<semaphore_mem>>) {add = true}
    }
    %scan3A_29 = arith.constant 100 : i32
    %scan3A_30 = arith.constant 0 : i32
    %scan3A_31 = arith.constant 100 : i32
    %scan3A_32 = arith.addi %scan3A_30, %scan3A_31 : i32
    %scan3A_33 = arith.constant 1 : i32
    scf.for %scan3A_40 = %scan3A_30 to %scan3A_32 step %scan3A_33  : i32 {
      %mul3A_41 = arith.constant 1 : i32
      %mul3A_42 = arith.muli %scan3A_40, %mul3A_41 : i32
      %add3A_43 = arith.constant 0 : i32
      %add3A_44 = arith.addi %add3A_43, %mul3A_42 : i32
      %dma_wait3A = arith.constant 0 : i32
      %dma_wait3A_45 = arith.constant 0 : i32
      %dma_wait3A_46 = tpu.memref_slice %arg5[%dma_wait3A, %dma_wait3A_45] : memref<100x100xi32, #tpu.memory_space<vmem>> -> memref<1x100xi32, #tpu.memory_space<vmem>>
      %dma_wait3A_47 = tpu.memref_squeeze %dma_wait3A_46 : memref<1x100xi32, #tpu.memory_space<vmem>> -> memref<100xi32, #tpu.memory_space<vmem>>
      %dma_wait3A_48 = arith.constant 0 : i32
      %dma_wait3A_49 = arith.constant 0 : i32
      %dma_wait3A_50 = tpu.memref_slice %arg8[%dma_wait3A_48, %dma_wait3A_49] : memref<10000x16xf32, #tpu.memory_space<vmem_shared>> -> memref<10000x16xf32, #tpu.memory_space<vmem_shared>>
      tpu.wait_indirect_dma semaphore(%arg9 : memref<!tpu.dma_semaphore, #tpu.memory_space<semaphore_mem>>) src(%arg6 : memref<100x16xf32, #tpu.memory_space<vmem>>) dst(%dma_wait3A_50 : memref<10000x16xf32, #tpu.memory_space<vmem_shared>>)
    }
    %scan3A_34 = arith.constant 100 : i32
    %barrier3A_35 = arith.constant 0 : index
    tpu.barrier barrier_id(%barrier3A_35)
    %mul3A_36 = arith.constant 625 : i32
    %mul3A_37 = arith.muli %arg1, %mul3A_36 : i32
    %mul3A_38 = arith.constant 625 : i32
    %mul3A_39 = arith.muli %arg1, %mul3A_38 : i32
    "tpu.region"() ({
      %run_scoped3A = tpu.sem_alloc : memref<!tpu.dma_semaphore, #tpu.memory_space<semaphore_mem>>
      %dma_start3A = arith.constant 0 : i32
      %dma_start3A_40 = tpu.memref_slice %arg4[%arg0, %mul3A_39, %dma_start3A] : memref<2x10000x16xf32, #tpu.memory_space<hbm>> -> memref<1x625x16xf32, #tpu.memory_space<hbm>>
      %dma_start3A_41 = tpu.memref_squeeze %dma_start3A_40 : memref<1x625x16xf32, #tpu.memory_space<hbm>> -> memref<625x16xf32, #tpu.memory_space<hbm>>
      %dma_start3A_42 = arith.constant 0 : i32
      %dma_start3A_43 = tpu.memref_slice %arg8[%mul3A_37, %dma_start3A_42] : memref<10000x16xf32, #tpu.memory_space<vmem_shared>> -> memref<625x16xf32, #tpu.memory_space<vmem_shared>>
      tpu.enqueue_dma source(%dma_start3A_43 : memref<625x16xf32, #tpu.memory_space<vmem_shared>>) target(%dma_start3A_41 : memref<625x16xf32, #tpu.memory_space<hbm>>) target_semaphore(%run_scoped3A : memref<!tpu.dma_semaphore, #tpu.memory_space<semaphore_mem>>)
      %dma_wait3A = arith.constant 0 : i32
      %dma_wait3A_44 = tpu.memref_slice %arg4[%arg0, %mul3A_39, %dma_wait3A] : memref<2x10000x16xf32, #tpu.memory_space<hbm>> -> memref<1x625x16xf32, #tpu.memory_space<hbm>>
      %dma_wait3A_45 = tpu.memref_squeeze %dma_wait3A_44 : memref<1x625x16xf32, #tpu.memory_space<hbm>> -> memref<625x16xf32, #tpu.memory_space<hbm>>
      %dma_wait3A_46 = arith.constant 0 : i32
      %dma_wait3A_47 = tpu.memref_slice %arg8[%mul3A_37, %dma_wait3A_46] : memref<10000x16xf32, #tpu.memory_space<vmem_shared>> -> memref<625x16xf32, #tpu.memory_space<vmem_shared>>
      tpu.wait_dma2 semaphore(%run_scoped3A : memref<!tpu.dma_semaphore, #tpu.memory_space<semaphore_mem>>) src(%dma_wait3A_47 : memref<625x16xf32, #tpu.memory_space<vmem_shared>>) dst(%dma_wait3A_45 : memref<625x16xf32, #tpu.memory_space<hbm>>)
      tpu.yield
    }) : () -> ()
    return
  }
}

#map = affine_map<(d0, d1) -> (0, 0, 0)>
#map1 = affine_map<(d0, d1) -> (0, 0)>
module attributes {stable_mosaic.version = 14 : i64} {
  func.func @_agg_body(%arg0: i32, %arg1: i32, %arg2: memref<32x100x100xi32, #tpu.memory_space<hbm>>, %arg3: memref<32x100x100xi32, #tpu.memory_space<hbm>>, %arg4: memref<10000x128xf32, #tpu.memory_space<hbm>>, %arg5: memref<2x10000x128xf32, #tpu.memory_space<hbm>>, %arg6: memref<100x100xi32, #tpu.memory_space<vmem>>, %arg7: memref<100x100xi32, #tpu.memory_space<vmem>>, %arg8: memref<100x128xf32, #tpu.memory_space<vmem>>, %arg9: memref<100x128xf32, #tpu.memory_space<vmem>>, %arg10: memref<10000x128xf32, #tpu.memory_space<vmem_shared>>, %arg11: memref<!tpu.dma_semaphore, #tpu.memory_space<semaphore_mem>>, %arg12: memref<!tpu.dma_semaphore, #tpu.memory_space<semaphore_mem>>) attributes {dimension_semantics = [#tpu.dimension_semantics<core_parallel>, #tpu.dimension_semantics<subcore_parallel>], iteration_bounds = array<i64: 2, 16>, scalar_prefetch = 0 : i64, scratch_operands = 7 : i64, tpu.core_type = #tpu.core_type<sc_vector_subcore>, window_params = [{transform_indices = #map}, {transform_indices = #map}, {transform_indices = #map1}, {transform_indices = #map}]} {
    %mul3A = arith.constant 2 : i32
    %mul3A_0 = arith.muli %arg1, %mul3A : i32
    %add3A = arith.addi %mul3A_0, %arg0 : i32
    "tpu.region"() ({
      %run_scoped3A = tpu.sem_alloc : memref<!tpu.dma_semaphore, #tpu.memory_space<semaphore_mem>>
      %dma_start3A_56 = arith.constant 0 : i32
      %dma_start3A_57 = arith.constant 0 : i32
      %dma_start3A_58 = tpu.memref_slice %arg2[%add3A, %dma_start3A_56, %dma_start3A_57] : memref<32x100x100xi32, #tpu.memory_space<hbm>> -> memref<1x100x100xi32, #tpu.memory_space<hbm>>
      %dma_start3A_59 = tpu.memref_squeeze %dma_start3A_58 : memref<1x100x100xi32, #tpu.memory_space<hbm>> -> memref<100x100xi32, #tpu.memory_space<hbm>>
      %dma_start3A_60 = arith.constant 0 : i32
      %dma_start3A_61 = arith.constant 0 : i32
      %dma_start3A_62 = tpu.memref_slice %arg2[%add3A, %dma_start3A_60, %dma_start3A_61] : memref<32x100x100xi32, #tpu.memory_space<hbm>> -> memref<1x100x100xi32, #tpu.memory_space<hbm>>
      %dma_start3A_63 = tpu.memref_squeeze %dma_start3A_62 : memref<1x100x100xi32, #tpu.memory_space<hbm>> -> memref<100x100xi32, #tpu.memory_space<hbm>>
      tpu.enqueue_dma source(%dma_start3A_63 : memref<100x100xi32, #tpu.memory_space<hbm>>) target(%arg6 : memref<100x100xi32, #tpu.memory_space<vmem>>) target_semaphore(%run_scoped3A : memref<!tpu.dma_semaphore, #tpu.memory_space<semaphore_mem>>)
      %dma_wait3A = arith.constant 0 : i32
      %dma_wait3A_64 = arith.constant 0 : i32
      %dma_wait3A_65 = tpu.memref_slice %arg2[%add3A, %dma_wait3A, %dma_wait3A_64] : memref<32x100x100xi32, #tpu.memory_space<hbm>> -> memref<1x100x100xi32, #tpu.memory_space<hbm>>
      %dma_wait3A_66 = tpu.memref_squeeze %dma_wait3A_65 : memref<1x100x100xi32, #tpu.memory_space<hbm>> -> memref<100x100xi32, #tpu.memory_space<hbm>>
      %dma_wait3A_67 = arith.constant 0 : i32
      %dma_wait3A_68 = arith.constant 0 : i32
      %dma_wait3A_69 = tpu.memref_slice %arg2[%add3A, %dma_wait3A_67, %dma_wait3A_68] : memref<32x100x100xi32, #tpu.memory_space<hbm>> -> memref<1x100x100xi32, #tpu.memory_space<hbm>>
      %dma_wait3A_70 = tpu.memref_squeeze %dma_wait3A_69 : memref<1x100x100xi32, #tpu.memory_space<hbm>> -> memref<100x100xi32, #tpu.memory_space<hbm>>
      tpu.wait_dma2 semaphore(%run_scoped3A : memref<!tpu.dma_semaphore, #tpu.memory_space<semaphore_mem>>) src(%dma_wait3A_70 : memref<100x100xi32, #tpu.memory_space<hbm>>) dst(%arg6 : memref<100x100xi32, #tpu.memory_space<vmem>>)
      tpu.yield
    }) : () -> ()
    "tpu.region"() ({
      %run_scoped3A = tpu.sem_alloc : memref<!tpu.dma_semaphore, #tpu.memory_space<semaphore_mem>>
      %dma_start3A_56 = arith.constant 0 : i32
      %dma_start3A_57 = arith.constant 0 : i32
      %dma_start3A_58 = tpu.memref_slice %arg3[%add3A, %dma_start3A_56, %dma_start3A_57] : memref<32x100x100xi32, #tpu.memory_space<hbm>> -> memref<1x100x100xi32, #tpu.memory_space<hbm>>
      %dma_start3A_59 = tpu.memref_squeeze %dma_start3A_58 : memref<1x100x100xi32, #tpu.memory_space<hbm>> -> memref<100x100xi32, #tpu.memory_space<hbm>>
      %dma_start3A_60 = arith.constant 0 : i32
      %dma_start3A_61 = arith.constant 0 : i32
      %dma_start3A_62 = tpu.memref_slice %arg3[%add3A, %dma_start3A_60, %dma_start3A_61] : memref<32x100x100xi32, #tpu.memory_space<hbm>> -> memref<1x100x100xi32, #tpu.memory_space<hbm>>
      %dma_start3A_63 = tpu.memref_squeeze %dma_start3A_62 : memref<1x100x100xi32, #tpu.memory_space<hbm>> -> memref<100x100xi32, #tpu.memory_space<hbm>>
      tpu.enqueue_dma source(%dma_start3A_63 : memref<100x100xi32, #tpu.memory_space<hbm>>) target(%arg7 : memref<100x100xi32, #tpu.memory_space<vmem>>) target_semaphore(%run_scoped3A : memref<!tpu.dma_semaphore, #tpu.memory_space<semaphore_mem>>)
      %dma_wait3A = arith.constant 0 : i32
      %dma_wait3A_64 = arith.constant 0 : i32
      %dma_wait3A_65 = tpu.memref_slice %arg3[%add3A, %dma_wait3A, %dma_wait3A_64] : memref<32x100x100xi32, #tpu.memory_space<hbm>> -> memref<1x100x100xi32, #tpu.memory_space<hbm>>
      %dma_wait3A_66 = tpu.memref_squeeze %dma_wait3A_65 : memref<1x100x100xi32, #tpu.memory_space<hbm>> -> memref<100x100xi32, #tpu.memory_space<hbm>>
      %dma_wait3A_67 = arith.constant 0 : i32
      %dma_wait3A_68 = arith.constant 0 : i32
      %dma_wait3A_69 = tpu.memref_slice %arg3[%add3A, %dma_wait3A_67, %dma_wait3A_68] : memref<32x100x100xi32, #tpu.memory_space<hbm>> -> memref<1x100x100xi32, #tpu.memory_space<hbm>>
      %dma_wait3A_70 = tpu.memref_squeeze %dma_wait3A_69 : memref<1x100x100xi32, #tpu.memory_space<hbm>> -> memref<100x100xi32, #tpu.memory_space<hbm>>
      tpu.wait_dma2 semaphore(%run_scoped3A : memref<!tpu.dma_semaphore, #tpu.memory_space<semaphore_mem>>) src(%dma_wait3A_70 : memref<100x100xi32, #tpu.memory_space<hbm>>) dst(%arg7 : memref<100x100xi32, #tpu.memory_space<vmem>>)
      tpu.yield
    }) : () -> ()
    %scan3A = arith.constant 0 : i32
    %scan3A_1 = arith.constant 100 : i32
    %scan3A_2 = arith.addi %scan3A, %scan3A_1 : i32
    %scan3A_3 = arith.constant 1 : i32
    scf.for %scan3A_56 = %scan3A to %scan3A_2 step %scan3A_3  : i32 {
      %mul3A_57 = arith.constant 1 : i32
      %mul3A_58 = arith.muli %scan3A_56, %mul3A_57 : i32
      %add3A_59 = arith.constant 0 : i32
      %add3A_60 = arith.addi %add3A_59, %mul3A_58 : i32
      %broadcast_in_dim3A = arith.constant 0.000000e+00 : f32
      %broadcast_in_dim3A_61 = vector.broadcast %broadcast_in_dim3A : f32 to vector<16xf32>
      %swap3A = arith.index_cast %add3A_60 : i32 to index
      %swap3A_62 = arith.constant 0 : index
      %swap3A_63 = tpu.vector_load %arg8[%swap3A, %swap3A_62] {strides = array<i32>} : memref<100x128xf32, #tpu.memory_space<vmem>>, vector<1x16xf32>,
      %swap3A_64 = vector.shape_cast %swap3A_63 : vector<1x16xf32> to vector<16xf32>
      %swap3A_65 = vector.shape_cast %broadcast_in_dim3A_61 : vector<16xf32> to vector<1x16xf32>
      tpu.vector_store %arg8[%swap3A, %swap3A_62], %swap3A_65 {strides = array<i32>} : memref<100x128xf32, #tpu.memory_space<vmem>>, vector<1x16xf32>,
      %broadcast_in_dim3A_66 = arith.constant 0.000000e+00 : f32
      %broadcast_in_dim3A_67 = vector.broadcast %broadcast_in_dim3A_66 : f32 to vector<16xf32>
      %swap3A_68 = arith.index_cast %add3A_60 : i32 to index
      %swap3A_69 = arith.constant 16 : index
      %swap3A_70 = tpu.vector_load %arg8[%swap3A_68, %swap3A_69] {strides = array<i32>} : memref<100x128xf32, #tpu.memory_space<vmem>>, vector<1x16xf32>,
      %swap3A_71 = vector.shape_cast %swap3A_70 : vector<1x16xf32> to vector<16xf32>
      %swap3A_72 = vector.shape_cast %broadcast_in_dim3A_67 : vector<16xf32> to vector<1x16xf32>
      tpu.vector_store %arg8[%swap3A_68, %swap3A_69], %swap3A_72 {strides = array<i32>} : memref<100x128xf32, #tpu.memory_space<vmem>>, vector<1x16xf32>,
      %broadcast_in_dim3A_73 = arith.constant 0.000000e+00 : f32
      %broadcast_in_dim3A_74 = vector.broadcast %broadcast_in_dim3A_73 : f32 to vector<16xf32>
      %swap3A_75 = arith.index_cast %add3A_60 : i32 to index
      %swap3A_76 = arith.constant 32 : index
      %swap3A_77 = tpu.vector_load %arg8[%swap3A_75, %swap3A_76] {strides = array<i32>} : memref<100x128xf32, #tpu.memory_space<vmem>>, vector<1x16xf32>,
      %swap3A_78 = vector.shape_cast %swap3A_77 : vector<1x16xf32> to vector<16xf32>
      %swap3A_79 = vector.shape_cast %broadcast_in_dim3A_74 : vector<16xf32> to vector<1x16xf32>
      tpu.vector_store %arg8[%swap3A_75, %swap3A_76], %swap3A_79 {strides = array<i32>} : memref<100x128xf32, #tpu.memory_space<vmem>>, vector<1x16xf32>,
      %broadcast_in_dim3A_80 = arith.constant 0.000000e+00 : f32
      %broadcast_in_dim3A_81 = vector.broadcast %broadcast_in_dim3A_80 : f32 to vector<16xf32>
      %swap3A_82 = arith.index_cast %add3A_60 : i32 to index
      %swap3A_83 = arith.constant 48 : index
      %swap3A_84 = tpu.vector_load %arg8[%swap3A_82, %swap3A_83] {strides = array<i32>} : memref<100x128xf32, #tpu.memory_space<vmem>>, vector<1x16xf32>,
      %swap3A_85 = vector.shape_cast %swap3A_84 : vector<1x16xf32> to vector<16xf32>
      %swap3A_86 = vector.shape_cast %broadcast_in_dim3A_81 : vector<16xf32> to vector<1x16xf32>
      tpu.vector_store %arg8[%swap3A_82, %swap3A_83], %swap3A_86 {strides = array<i32>} : memref<100x128xf32, #tpu.memory_space<vmem>>, vector<1x16xf32>,
      %broadcast_in_dim3A_87 = arith.constant 0.000000e+00 : f32
      %broadcast_in_dim3A_88 = vector.broadcast %broadcast_in_dim3A_87 : f32 to vector<16xf32>
      %swap3A_89 = arith.index_cast %add3A_60 : i32 to index
      %swap3A_90 = arith.constant 64 : index
      %swap3A_91 = tpu.vector_load %arg8[%swap3A_89, %swap3A_90] {strides = array<i32>} : memref<100x128xf32, #tpu.memory_space<vmem>>, vector<1x16xf32>,
      %swap3A_92 = vector.shape_cast %swap3A_91 : vector<1x16xf32> to vector<16xf32>
      %swap3A_93 = vector.shape_cast %broadcast_in_dim3A_88 : vector<16xf32> to vector<1x16xf32>
      tpu.vector_store %arg8[%swap3A_89, %swap3A_90], %swap3A_93 {strides = array<i32>} : memref<100x128xf32, #tpu.memory_space<vmem>>, vector<1x16xf32>,
      %broadcast_in_dim3A_94 = arith.constant 0.000000e+00 : f32
      %broadcast_in_dim3A_95 = vector.broadcast %broadcast_in_dim3A_94 : f32 to vector<16xf32>
      %swap3A_96 = arith.index_cast %add3A_60 : i32 to index
      %swap3A_97 = arith.constant 80 : index
      %swap3A_98 = tpu.vector_load %arg8[%swap3A_96, %swap3A_97] {strides = array<i32>} : memref<100x128xf32, #tpu.memory_space<vmem>>, vector<1x16xf32>,
      %swap3A_99 = vector.shape_cast %swap3A_98 : vector<1x16xf32> to vector<16xf32>
      %swap3A_100 = vector.shape_cast %broadcast_in_dim3A_95 : vector<16xf32> to vector<1x16xf32>
      tpu.vector_store %arg8[%swap3A_96, %swap3A_97], %swap3A_100 {strides = array<i32>} : memref<100x128xf32, #tpu.memory_space<vmem>>, vector<1x16xf32>,
      %broadcast_in_dim3A_101 = arith.constant 0.000000e+00 : f32
      %broadcast_in_dim3A_102 = vector.broadcast %broadcast_in_dim3A_101 : f32 to vector<16xf32>
      %swap3A_103 = arith.index_cast %add3A_60 : i32 to index
      %swap3A_104 = arith.constant 96 : index
      %swap3A_105 = tpu.vector_load %arg8[%swap3A_103, %swap3A_104] {strides = array<i32>} : memref<100x128xf32, #tpu.memory_space<vmem>>, vector<1x16xf32>,
      %swap3A_106 = vector.shape_cast %swap3A_105 : vector<1x16xf32> to vector<16xf32>
      %swap3A_107 = vector.shape_cast %broadcast_in_dim3A_102 : vector<16xf32> to vector<1x16xf32>
      tpu.vector_store %arg8[%swap3A_103, %swap3A_104], %swap3A_107 {strides = array<i32>} : memref<100x128xf32, #tpu.memory_space<vmem>>, vector<1x16xf32>,
      %broadcast_in_dim3A_108 = arith.constant 0.000000e+00 : f32
      %broadcast_in_dim3A_109 = vector.broadcast %broadcast_in_dim3A_108 : f32 to vector<16xf32>
      %swap3A_110 = arith.index_cast %add3A_60 : i32 to index
      %swap3A_111 = arith.constant 112 : index
      %swap3A_112 = tpu.vector_load %arg8[%swap3A_110, %swap3A_111] {strides = array<i32>} : memref<100x128xf32, #tpu.memory_space<vmem>>, vector<1x16xf32>,
      %swap3A_113 = vector.shape_cast %swap3A_112 : vector<1x16xf32> to vector<16xf32>
      %swap3A_114 = vector.shape_cast %broadcast_in_dim3A_109 : vector<16xf32> to vector<1x16xf32>
      tpu.vector_store %arg8[%swap3A_110, %swap3A_111], %swap3A_114 {strides = array<i32>} : memref<100x128xf32, #tpu.memory_space<vmem>>, vector<1x16xf32>,
    }
    %scan3A_4 = arith.constant 100 : i32
    %mul3A_5 = arith.constant 625 : i32
    %mul3A_6 = arith.muli %arg1, %mul3A_5 : i32
    %add3A_7 = arith.constant 0 : i32
    %add3A_8 = arith.addi %mul3A_6, %add3A_7 : i32
    "tpu.region"() ({
      %run_scoped3A = tpu.sem_alloc : memref<!tpu.dma_semaphore, #tpu.memory_space<semaphore_mem>>
      %dma_start3A_56 = arith.constant 0 : i32
      %dma_start3A_57 = tpu.memref_slice %arg10[%add3A_8, %dma_start3A_56] : memref<10000x128xf32, #tpu.memory_space<vmem_shared>> -> memref<100x128xf32, #tpu.memory_space<vmem_shared>>
      %dma_start3A_58 = arith.constant 0 : i32
      %dma_start3A_59 = tpu.memref_slice %arg10[%add3A_8, %dma_start3A_58] : memref<10000x128xf32, #tpu.memory_space<vmem_shared>> -> memref<100x128xf32, #tpu.memory_space<vmem_shared>>
      tpu.enqueue_dma source(%arg8 : memref<100x128xf32, #tpu.memory_space<vmem>>) target(%dma_start3A_59 : memref<100x128xf32, #tpu.memory_space<vmem_shared>>) target_semaphore(%run_scoped3A : memref<!tpu.dma_semaphore, #tpu.memory_space<semaphore_mem>>)
      %dma_wait3A = arith.constant 0 : i32
      %dma_wait3A_60 = tpu.memref_slice %arg10[%add3A_8, %dma_wait3A] : memref<10000x128xf32, #tpu.memory_space<vmem_shared>> -> memref<100x128xf32, #tpu.memory_space<vmem_shared>>
      %dma_wait3A_61 = arith.constant 0 : i32
      %dma_wait3A_62 = tpu.memref_slice %arg10[%add3A_8, %dma_wait3A_61] : memref<10000x128xf32, #tpu.memory_space<vmem_shared>> -> memref<100x128xf32, #tpu.memory_space<vmem_shared>>
      tpu.wait_dma2 semaphore(%run_scoped3A : memref<!tpu.dma_semaphore, #tpu.memory_space<semaphore_mem>>) src(%arg8 : memref<100x128xf32, #tpu.memory_space<vmem>>) dst(%dma_wait3A_62 : memref<100x128xf32, #tpu.memory_space<vmem_shared>>)
      tpu.yield
    }) : () -> ()
    %mul3A_9 = arith.constant 625 : i32
    %mul3A_10 = arith.muli %arg1, %mul3A_9 : i32
    %add3A_11 = arith.constant 100 : i32
    %add3A_12 = arith.addi %mul3A_10, %add3A_11 : i32
    "tpu.region"() ({
      %run_scoped3A = tpu.sem_alloc : memref<!tpu.dma_semaphore, #tpu.memory_space<semaphore_mem>>
      %dma_start3A_56 = arith.constant 0 : i32
      %dma_start3A_57 = tpu.memref_slice %arg10[%add3A_12, %dma_start3A_56] : memref<10000x128xf32, #tpu.memory_space<vmem_shared>> -> memref<100x128xf32, #tpu.memory_space<vmem_shared>>
      %dma_start3A_58 = arith.constant 0 : i32
      %dma_start3A_59 = tpu.memref_slice %arg10[%add3A_12, %dma_start3A_58] : memref<10000x128xf32, #tpu.memory_space<vmem_shared>> -> memref<100x128xf32, #tpu.memory_space<vmem_shared>>
      tpu.enqueue_dma source(%arg8 : memref<100x128xf32, #tpu.memory_space<vmem>>) target(%dma_start3A_59 : memref<100x128xf32, #tpu.memory_space<vmem_shared>>) target_semaphore(%run_scoped3A : memref<!tpu.dma_semaphore, #tpu.memory_space<semaphore_mem>>)
      %dma_wait3A = arith.constant 0 : i32
      %dma_wait3A_60 = tpu.memref_slice %arg10[%add3A_12, %dma_wait3A] : memref<10000x128xf32, #tpu.memory_space<vmem_shared>> -> memref<100x128xf32, #tpu.memory_space<vmem_shared>>
      %dma_wait3A_61 = arith.constant 0 : i32
      %dma_wait3A_62 = tpu.memref_slice %arg10[%add3A_12, %dma_wait3A_61] : memref<10000x128xf32, #tpu.memory_space<vmem_shared>> -> memref<100x128xf32, #tpu.memory_space<vmem_shared>>
      tpu.wait_dma2 semaphore(%run_scoped3A : memref<!tpu.dma_semaphore, #tpu.memory_space<semaphore_mem>>) src(%arg8 : memref<100x128xf32, #tpu.memory_space<vmem>>) dst(%dma_wait3A_62 : memref<100x128xf32, #tpu.memory_space<vmem_shared>>)
      tpu.yield
    }) : () -> ()
    %mul3A_13 = arith.constant 625 : i32
    %mul3A_14 = arith.muli %arg1, %mul3A_13 : i32
    %add3A_15 = arith.constant 200 : i32
    %add3A_16 = arith.addi %mul3A_14, %add3A_15 : i32
    "tpu.region"() ({
      %run_scoped3A = tpu.sem_alloc : memref<!tpu.dma_semaphore, #tpu.memory_space<semaphore_mem>>
      %dma_start3A_56 = arith.constant 0 : i32
      %dma_start3A_57 = tpu.memref_slice %arg10[%add3A_16, %dma_start3A_56] : memref<10000x128xf32, #tpu.memory_space<vmem_shared>> -> memref<100x128xf32, #tpu.memory_space<vmem_shared>>
      %dma_start3A_58 = arith.constant 0 : i32
      %dma_start3A_59 = tpu.memref_slice %arg10[%add3A_16, %dma_start3A_58] : memref<10000x128xf32, #tpu.memory_space<vmem_shared>> -> memref<100x128xf32, #tpu.memory_space<vmem_shared>>
      tpu.enqueue_dma source(%arg8 : memref<100x128xf32, #tpu.memory_space<vmem>>) target(%dma_start3A_59 : memref<100x128xf32, #tpu.memory_space<vmem_shared>>) target_semaphore(%run_scoped3A : memref<!tpu.dma_semaphore, #tpu.memory_space<semaphore_mem>>)
      %dma_wait3A = arith.constant 0 : i32
      %dma_wait3A_60 = tpu.memref_slice %arg10[%add3A_16, %dma_wait3A] : memref<10000x128xf32, #tpu.memory_space<vmem_shared>> -> memref<100x128xf32, #tpu.memory_space<vmem_shared>>
      %dma_wait3A_61 = arith.constant 0 : i32
      %dma_wait3A_62 = tpu.memref_slice %arg10[%add3A_16, %dma_wait3A_61] : memref<10000x128xf32, #tpu.memory_space<vmem_shared>> -> memref<100x128xf32, #tpu.memory_space<vmem_shared>>
      tpu.wait_dma2 semaphore(%run_scoped3A : memref<!tpu.dma_semaphore, #tpu.memory_space<semaphore_mem>>) src(%arg8 : memref<100x128xf32, #tpu.memory_space<vmem>>) dst(%dma_wait3A_62 : memref<100x128xf32, #tpu.memory_space<vmem_shared>>)
      tpu.yield
    }) : () -> ()
    %mul3A_17 = arith.constant 625 : i32
    %mul3A_18 = arith.muli %arg1, %mul3A_17 : i32
    %add3A_19 = arith.constant 300 : i32
    %add3A_20 = arith.addi %mul3A_18, %add3A_19 : i32
    "tpu.region"() ({
      %run_scoped3A = tpu.sem_alloc : memref<!tpu.dma_semaphore, #tpu.memory_space<semaphore_mem>>
      %dma_start3A_56 = arith.constant 0 : i32
      %dma_start3A_57 = tpu.memref_slice %arg10[%add3A_20, %dma_start3A_56] : memref<10000x128xf32, #tpu.memory_space<vmem_shared>> -> memref<100x128xf32, #tpu.memory_space<vmem_shared>>
      %dma_start3A_58 = arith.constant 0 : i32
      %dma_start3A_59 = tpu.memref_slice %arg10[%add3A_20, %dma_start3A_58] : memref<10000x128xf32, #tpu.memory_space<vmem_shared>> -> memref<100x128xf32, #tpu.memory_space<vmem_shared>>
      tpu.enqueue_dma source(%arg8 : memref<100x128xf32, #tpu.memory_space<vmem>>) target(%dma_start3A_59 : memref<100x128xf32, #tpu.memory_space<vmem_shared>>) target_semaphore(%run_scoped3A : memref<!tpu.dma_semaphore, #tpu.memory_space<semaphore_mem>>)
      %dma_wait3A = arith.constant 0 : i32
      %dma_wait3A_60 = tpu.memref_slice %arg10[%add3A_20, %dma_wait3A] : memref<10000x128xf32, #tpu.memory_space<vmem_shared>> -> memref<100x128xf32, #tpu.memory_space<vmem_shared>>
      %dma_wait3A_61 = arith.constant 0 : i32
      %dma_wait3A_62 = tpu.memref_slice %arg10[%add3A_20, %dma_wait3A_61] : memref<10000x128xf32, #tpu.memory_space<vmem_shared>> -> memref<100x128xf32, #tpu.memory_space<vmem_shared>>
      tpu.wait_dma2 semaphore(%run_scoped3A : memref<!tpu.dma_semaphore, #tpu.memory_space<semaphore_mem>>) src(%arg8 : memref<100x128xf32, #tpu.memory_space<vmem>>) dst(%dma_wait3A_62 : memref<100x128xf32, #tpu.memory_space<vmem_shared>>)
      tpu.yield
    }) : () -> ()
    %mul3A_21 = arith.constant 625 : i32
    %mul3A_22 = arith.muli %arg1, %mul3A_21 : i32
    %add3A_23 = arith.constant 400 : i32
    %add3A_24 = arith.addi %mul3A_22, %add3A_23 : i32
    "tpu.region"() ({
      %run_scoped3A = tpu.sem_alloc : memref<!tpu.dma_semaphore, #tpu.memory_space<semaphore_mem>>
      %dma_start3A_56 = arith.constant 0 : i32
      %dma_start3A_57 = tpu.memref_slice %arg10[%add3A_24, %dma_start3A_56] : memref<10000x128xf32, #tpu.memory_space<vmem_shared>> -> memref<100x128xf32, #tpu.memory_space<vmem_shared>>
      %dma_start3A_58 = arith.constant 0 : i32
      %dma_start3A_59 = tpu.memref_slice %arg10[%add3A_24, %dma_start3A_58] : memref<10000x128xf32, #tpu.memory_space<vmem_shared>> -> memref<100x128xf32, #tpu.memory_space<vmem_shared>>
      tpu.enqueue_dma source(%arg8 : memref<100x128xf32, #tpu.memory_space<vmem>>) target(%dma_start3A_59 : memref<100x128xf32, #tpu.memory_space<vmem_shared>>) target_semaphore(%run_scoped3A : memref<!tpu.dma_semaphore, #tpu.memory_space<semaphore_mem>>)
      %dma_wait3A = arith.constant 0 : i32
      %dma_wait3A_60 = tpu.memref_slice %arg10[%add3A_24, %dma_wait3A] : memref<10000x128xf32, #tpu.memory_space<vmem_shared>> -> memref<100x128xf32, #tpu.memory_space<vmem_shared>>
      %dma_wait3A_61 = arith.constant 0 : i32
      %dma_wait3A_62 = tpu.memref_slice %arg10[%add3A_24, %dma_wait3A_61] : memref<10000x128xf32, #tpu.memory_space<vmem_shared>> -> memref<100x128xf32, #tpu.memory_space<vmem_shared>>
      tpu.wait_dma2 semaphore(%run_scoped3A : memref<!tpu.dma_semaphore, #tpu.memory_space<semaphore_mem>>) src(%arg8 : memref<100x128xf32, #tpu.memory_space<vmem>>) dst(%dma_wait3A_62 : memref<100x128xf32, #tpu.memory_space<vmem_shared>>)
      tpu.yield
    }) : () -> ()
    %mul3A_25 = arith.constant 625 : i32
    %mul3A_26 = arith.muli %arg1, %mul3A_25 : i32
    %add3A_27 = arith.constant 500 : i32
    %add3A_28 = arith.addi %mul3A_26, %add3A_27 : i32
    "tpu.region"() ({
      %run_scoped3A = tpu.sem_alloc : memref<!tpu.dma_semaphore, #tpu.memory_space<semaphore_mem>>
      %dma_start3A_56 = arith.constant 0 : i32
      %dma_start3A_57 = tpu.memref_slice %arg10[%add3A_28, %dma_start3A_56] : memref<10000x128xf32, #tpu.memory_space<vmem_shared>> -> memref<100x128xf32, #tpu.memory_space<vmem_shared>>
      %dma_start3A_58 = arith.constant 0 : i32
      %dma_start3A_59 = tpu.memref_slice %arg10[%add3A_28, %dma_start3A_58] : memref<10000x128xf32, #tpu.memory_space<vmem_shared>> -> memref<100x128xf32, #tpu.memory_space<vmem_shared>>
      tpu.enqueue_dma source(%arg8 : memref<100x128xf32, #tpu.memory_space<vmem>>) target(%dma_start3A_59 : memref<100x128xf32, #tpu.memory_space<vmem_shared>>) target_semaphore(%run_scoped3A : memref<!tpu.dma_semaphore, #tpu.memory_space<semaphore_mem>>)
      %dma_wait3A = arith.constant 0 : i32
      %dma_wait3A_60 = tpu.memref_slice %arg10[%add3A_28, %dma_wait3A] : memref<10000x128xf32, #tpu.memory_space<vmem_shared>> -> memref<100x128xf32, #tpu.memory_space<vmem_shared>>
      %dma_wait3A_61 = arith.constant 0 : i32
      %dma_wait3A_62 = tpu.memref_slice %arg10[%add3A_28, %dma_wait3A_61] : memref<10000x128xf32, #tpu.memory_space<vmem_shared>> -> memref<100x128xf32, #tpu.memory_space<vmem_shared>>
      tpu.wait_dma2 semaphore(%run_scoped3A : memref<!tpu.dma_semaphore, #tpu.memory_space<semaphore_mem>>) src(%arg8 : memref<100x128xf32, #tpu.memory_space<vmem>>) dst(%dma_wait3A_62 : memref<100x128xf32, #tpu.memory_space<vmem_shared>>)
      tpu.yield
    }) : () -> ()
    %mul3A_29 = arith.constant 625 : i32
    %mul3A_30 = arith.muli %arg1, %mul3A_29 : i32
    %add3A_31 = arith.constant 600 : i32
    %add3A_32 = arith.addi %mul3A_30, %add3A_31 : i32
    "tpu.region"() ({
      %run_scoped3A = tpu.sem_alloc : memref<!tpu.dma_semaphore, #tpu.memory_space<semaphore_mem>>
      %dma_start3A_56 = arith.constant 0 : i32
      %dma_start3A_57 = arith.constant 0 : i32
      %dma_start3A_58 = tpu.memref_slice %arg8[%dma_start3A_56, %dma_start3A_57] : memref<100x128xf32, #tpu.memory_space<vmem>> -> memref<25x128xf32, #tpu.memory_space<vmem>>
      %dma_start3A_59 = arith.constant 0 : i32
      %dma_start3A_60 = tpu.memref_slice %arg10[%add3A_32, %dma_start3A_59] : memref<10000x128xf32, #tpu.memory_space<vmem_shared>> -> memref<25x128xf32, #tpu.memory_space<vmem_shared>>
      %dma_start3A_61 = arith.constant 0 : i32
      %dma_start3A_62 = tpu.memref_slice %arg10[%add3A_32, %dma_start3A_61] : memref<10000x128xf32, #tpu.memory_space<vmem_shared>> -> memref<25x128xf32, #tpu.memory_space<vmem_shared>>
      %dma_start3A_63 = arith.constant 0 : i32
      %dma_start3A_64 = arith.constant 0 : i32
      %dma_start3A_65 = tpu.memref_slice %arg8[%dma_start3A_63, %dma_start3A_64] : memref<100x128xf32, #tpu.memory_space<vmem>> -> memref<25x128xf32, #tpu.memory_space<vmem>>
      tpu.enqueue_dma source(%dma_start3A_65 : memref<25x128xf32, #tpu.memory_space<vmem>>) target(%dma_start3A_62 : memref<25x128xf32, #tpu.memory_space<vmem_shared>>) target_semaphore(%run_scoped3A : memref<!tpu.dma_semaphore, #tpu.memory_space<semaphore_mem>>)
      %dma_wait3A = arith.constant 0 : i32
      %dma_wait3A_66 = arith.constant 0 : i32
      %dma_wait3A_67 = tpu.memref_slice %arg8[%dma_wait3A, %dma_wait3A_66] : memref<100x128xf32, #tpu.memory_space<vmem>> -> memref<25x128xf32, #tpu.memory_space<vmem>>
      %dma_wait3A_68 = arith.constant 0 : i32
      %dma_wait3A_69 = tpu.memref_slice %arg10[%add3A_32, %dma_wait3A_68] : memref<10000x128xf32, #tpu.memory_space<vmem_shared>> -> memref<25x128xf32, #tpu.memory_space<vmem_shared>>
      %dma_wait3A_70 = arith.constant 0 : i32
      %dma_wait3A_71 = tpu.memref_slice %arg10[%add3A_32, %dma_wait3A_70] : memref<10000x128xf32, #tpu.memory_space<vmem_shared>> -> memref<25x128xf32, #tpu.memory_space<vmem_shared>>
      %dma_wait3A_72 = arith.constant 0 : i32
      %dma_wait3A_73 = arith.constant 0 : i32
      %dma_wait3A_74 = tpu.memref_slice %arg8[%dma_wait3A_72, %dma_wait3A_73] : memref<100x128xf32, #tpu.memory_space<vmem>> -> memref<25x128xf32, #tpu.memory_space<vmem>>
      tpu.wait_dma2 semaphore(%run_scoped3A : memref<!tpu.dma_semaphore, #tpu.memory_space<semaphore_mem>>) src(%dma_wait3A_74 : memref<25x128xf32, #tpu.memory_space<vmem>>) dst(%dma_wait3A_71 : memref<25x128xf32, #tpu.memory_space<vmem_shared>>)
      tpu.yield
    }) : () -> ()
    %dma_start3A = arith.constant 0 : i32
    %dma_start3A_33 = arith.constant 0 : i32
    %dma_start3A_34 = tpu.memref_slice %arg6[%dma_start3A, %dma_start3A_33] : memref<100x100xi32, #tpu.memory_space<vmem>> -> memref<1x100xi32, #tpu.memory_space<vmem>>
    %dma_start3A_35 = tpu.memref_squeeze %dma_start3A_34 : memref<1x100xi32, #tpu.memory_space<vmem>> -> memref<100xi32, #tpu.memory_space<vmem>>
    %dma_start3A_36 = arith.constant 0 : i32
    %dma_start3A_37 = arith.constant 0 : i32
    %dma_start3A_38 = tpu.memref_slice %arg4[%dma_start3A_36, %dma_start3A_37] : memref<10000x128xf32, #tpu.memory_space<hbm>> -> memref<10000x128xf32, #tpu.memory_space<hbm>>
    tpu.enqueue_indirect_dma source(%dma_start3A_38 : memref<10000x128xf32, #tpu.memory_space<hbm>>) target(%arg8 : memref<100x128xf32, #tpu.memory_space<vmem>>) offsets(%dma_start3A_35 : memref<100xi32, #tpu.memory_space<vmem>>) semaphore(%arg11 : memref<!tpu.dma_semaphore, #tpu.memory_space<semaphore_mem>>)
    %dma_start3A_39 = arith.constant 1 : i32
    %dma_start3A_40 = arith.constant 0 : i32
    %dma_start3A_41 = tpu.memref_slice %arg6[%dma_start3A_39, %dma_start3A_40] : memref<100x100xi32, #tpu.memory_space<vmem>> -> memref<1x100xi32, #tpu.memory_space<vmem>>
    %dma_start3A_42 = tpu.memref_squeeze %dma_start3A_41 : memref<1x100xi32, #tpu.memory_space<vmem>> -> memref<100xi32, #tpu.memory_space<vmem>>
    %dma_start3A_43 = arith.constant 0 : i32
    %dma_start3A_44 = arith.constant 0 : i32
    %dma_start3A_45 = tpu.memref_slice %arg4[%dma_start3A_43, %dma_start3A_44] : memref<10000x128xf32, #tpu.memory_space<hbm>> -> memref<10000x128xf32, #tpu.memory_space<hbm>>
    tpu.enqueue_indirect_dma source(%dma_start3A_45 : memref<10000x128xf32, #tpu.memory_space<hbm>>) target(%arg9 : memref<100x128xf32, #tpu.memory_space<vmem>>) offsets(%dma_start3A_42 : memref<100xi32, #tpu.memory_space<vmem>>) semaphore(%arg12 : memref<!tpu.dma_semaphore, #tpu.memory_space<semaphore_mem>>)
    %barrier3A = arith.constant 0 : index
    tpu.barrier barrier_id(%barrier3A)
    %scan3A_46 = arith.constant 0 : i32
    %scan3A_47 = arith.constant 50 : i32
    %scan3A_48 = arith.addi %scan3A_46, %scan3A_47 : i32
    %scan3A_49 = arith.constant 1 : i32
    scf.for %scan3A_56 = %scan3A_46 to %scan3A_48 step %scan3A_49  : i32 {
      %mul3A_57 = arith.constant 2 : i32
      %mul3A_58 = arith.muli %scan3A_56, %mul3A_57 : i32
      %add3A_59 = arith.constant 0 : i32
      %add3A_60 = arith.addi %add3A_59, %mul3A_58 : i32
      %dma_wait3A = arith.constant 0 : i32
      %dma_wait3A_61 = tpu.memref_slice %arg6[%add3A_60, %dma_wait3A] : memref<100x100xi32, #tpu.memory_space<vmem>> -> memref<1x100xi32, #tpu.memory_space<vmem>>
      %dma_wait3A_62 = tpu.memref_squeeze %dma_wait3A_61 : memref<1x100xi32, #tpu.memory_space<vmem>> -> memref<100xi32, #tpu.memory_space<vmem>>
      %dma_wait3A_63 = arith.constant 0 : i32
      %dma_wait3A_64 = arith.constant 0 : i32
      %dma_wait3A_65 = tpu.memref_slice %arg4[%dma_wait3A_63, %dma_wait3A_64] : memref<10000x128xf32, #tpu.memory_space<hbm>> -> memref<10000x128xf32, #tpu.memory_space<hbm>>
      tpu.wait_indirect_dma semaphore(%arg11 : memref<!tpu.dma_semaphore, #tpu.memory_space<semaphore_mem>>) src(%dma_wait3A_65 : memref<10000x128xf32, #tpu.memory_space<hbm>>) dst(%arg8 : memref<100x128xf32, #tpu.memory_space<vmem>>)
      "tpu.region"() ({
        %run_scoped3A = tpu.sem_alloc : memref<!tpu.dma_semaphore, #tpu.memory_space<semaphore_mem>>
        %dma_start3A_87 = arith.constant 0 : i32
        %dma_start3A_88 = tpu.memref_slice %arg7[%add3A_60, %dma_start3A_87] : memref<100x100xi32, #tpu.memory_space<vmem>> -> memref<1x100xi32, #tpu.memory_space<vmem>>
        %dma_start3A_89 = tpu.memref_squeeze %dma_start3A_88 : memref<1x100xi32, #tpu.memory_space<vmem>> -> memref<100xi32, #tpu.memory_space<vmem>>
        %dma_start3A_90 = arith.constant 0 : i32
        %dma_start3A_91 = arith.constant 0 : i32
        %dma_start3A_92 = tpu.memref_slice %arg10[%dma_start3A_90, %dma_start3A_91] : memref<10000x128xf32, #tpu.memory_space<vmem_shared>> -> memref<10000x128xf32, #tpu.memory_space<vmem_shared>>
        tpu.enqueue_indirect_dma source(%arg8 : memref<100x128xf32, #tpu.memory_space<vmem>>) target(%dma_start3A_92 : memref<10000x128xf32, #tpu.memory_space<vmem_shared>>) offsets(%dma_start3A_89 : memref<100xi32, #tpu.memory_space<vmem>>) semaphore(%run_scoped3A : memref<!tpu.dma_semaphore, #tpu.memory_space<semaphore_mem>>) {add = true}
        %dma_wait3A_93 = arith.constant 0 : i32
        %dma_wait3A_94 = tpu.memref_slice %arg7[%add3A_60, %dma_wait3A_93] : memref<100x100xi32, #tpu.memory_space<vmem>> -> memref<1x100xi32, #tpu.memory_space<vmem>>
        %dma_wait3A_95 = tpu.memref_squeeze %dma_wait3A_94 : memref<1x100xi32, #tpu.memory_space<vmem>> -> memref<100xi32, #tpu.memory_space<vmem>>
        %dma_wait3A_96 = arith.constant 0 : i32
        %dma_wait3A_97 = arith.constant 0 : i32
        %dma_wait3A_98 = tpu.memref_slice %arg10[%dma_wait3A_96, %dma_wait3A_97] : memref<10000x128xf32, #tpu.memory_space<vmem_shared>> -> memref<10000x128xf32, #tpu.memory_space<vmem_shared>>
        tpu.wait_indirect_dma semaphore(%run_scoped3A : memref<!tpu.dma_semaphore, #tpu.memory_space<semaphore_mem>>) src(%arg8 : memref<100x128xf32, #tpu.memory_space<vmem>>) dst(%dma_wait3A_98 : memref<10000x128xf32, #tpu.memory_space<vmem_shared>>)
        tpu.yield
      }) : () -> ()
      %add3A_66 = arith.constant 2 : i32
      %add3A_67 = arith.addi %add3A_60, %add3A_66 : i32
      %lt3A = arith.constant 100 : i32
      %lt3A_68 = arith.cmpi slt, %add3A_67, %lt3A : i32
      %convert_element_type3A = arith.extui %lt3A_68 : i1 to i32
      %cond3A = arith.constant 0 : i32
      %cond3A_69 = arith.cmpi ne, %convert_element_type3A, %cond3A : i32
      scf.if %cond3A_69 {
        %add3A_87 = arith.constant 2 : i32
        %add3A_88 = arith.addi %add3A_60, %add3A_87 : i32
        %dma_start3A_89 = arith.constant 0 : i32
        %dma_start3A_90 = tpu.memref_slice %arg6[%add3A_88, %dma_start3A_89] : memref<100x100xi32, #tpu.memory_space<vmem>> -> memref<1x100xi32, #tpu.memory_space<vmem>>
        %dma_start3A_91 = tpu.memref_squeeze %dma_start3A_90 : memref<1x100xi32, #tpu.memory_space<vmem>> -> memref<100xi32, #tpu.memory_space<vmem>>
        %dma_start3A_92 = arith.constant 0 : i32
        %dma_start3A_93 = arith.constant 0 : i32
        %dma_start3A_94 = tpu.memref_slice %arg4[%dma_start3A_92, %dma_start3A_93] : memref<10000x128xf32, #tpu.memory_space<hbm>> -> memref<10000x128xf32, #tpu.memory_space<hbm>>
        tpu.enqueue_indirect_dma source(%dma_start3A_94 : memref<10000x128xf32, #tpu.memory_space<hbm>>) target(%arg8 : memref<100x128xf32, #tpu.memory_space<vmem>>) offsets(%dma_start3A_91 : memref<100xi32, #tpu.memory_space<vmem>>) semaphore(%arg11 : memref<!tpu.dma_semaphore, #tpu.memory_space<semaphore_mem>>)
      } else {
      }
      %add3A_70 = arith.constant 1 : i32
      %add3A_71 = arith.addi %add3A_60, %add3A_70 : i32
      %dma_wait3A_72 = arith.constant 0 : i32
      %dma_wait3A_73 = tpu.memref_slice %arg6[%add3A_71, %dma_wait3A_72] : memref<100x100xi32, #tpu.memory_space<vmem>> -> memref<1x100xi32, #tpu.memory_space<vmem>>
      %dma_wait3A_74 = tpu.memref_squeeze %dma_wait3A_73 : memref<1x100xi32, #tpu.memory_space<vmem>> -> memref<100xi32, #tpu.memory_space<vmem>>
      %dma_wait3A_75 = arith.constant 0 : i32
      %dma_wait3A_76 = arith.constant 0 : i32
      %dma_wait3A_77 = tpu.memref_slice %arg4[%dma_wait3A_75, %dma_wait3A_76] : memref<10000x128xf32, #tpu.memory_space<hbm>> -> memref<10000x128xf32, #tpu.memory_space<hbm>>
      tpu.wait_indirect_dma semaphore(%arg12 : memref<!tpu.dma_semaphore, #tpu.memory_space<semaphore_mem>>) src(%dma_wait3A_77 : memref<10000x128xf32, #tpu.memory_space<hbm>>) dst(%arg9 : memref<100x128xf32, #tpu.memory_space<vmem>>)
      %add3A_78 = arith.constant 1 : i32
      %add3A_79 = arith.addi %add3A_60, %add3A_78 : i32
      "tpu.region"() ({
        %run_scoped3A = tpu.sem_alloc : memref<!tpu.dma_semaphore, #tpu.memory_space<semaphore_mem>>
        %dma_start3A_87 = arith.constant 0 : i32
        %dma_start3A_88 = tpu.memref_slice %arg7[%add3A_79, %dma_start3A_87] : memref<100x100xi32, #tpu.memory_space<vmem>> -> memref<1x100xi32, #tpu.memory_space<vmem>>
        %dma_start3A_89 = tpu.memref_squeeze %dma_start3A_88 : memref<1x100xi32, #tpu.memory_space<vmem>> -> memref<100xi32, #tpu.memory_space<vmem>>
        %dma_start3A_90 = arith.constant 0 : i32
        %dma_start3A_91 = arith.constant 0 : i32
        %dma_start3A_92 = tpu.memref_slice %arg10[%dma_start3A_90, %dma_start3A_91] : memref<10000x128xf32, #tpu.memory_space<vmem_shared>> -> memref<10000x128xf32, #tpu.memory_space<vmem_shared>>
        tpu.enqueue_indirect_dma source(%arg9 : memref<100x128xf32, #tpu.memory_space<vmem>>) target(%dma_start3A_92 : memref<10000x128xf32, #tpu.memory_space<vmem_shared>>) offsets(%dma_start3A_89 : memref<100xi32, #tpu.memory_space<vmem>>) semaphore(%run_scoped3A : memref<!tpu.dma_semaphore, #tpu.memory_space<semaphore_mem>>) {add = true}
        %dma_wait3A_93 = arith.constant 0 : i32
        %dma_wait3A_94 = tpu.memref_slice %arg7[%add3A_79, %dma_wait3A_93] : memref<100x100xi32, #tpu.memory_space<vmem>> -> memref<1x100xi32, #tpu.memory_space<vmem>>
        %dma_wait3A_95 = tpu.memref_squeeze %dma_wait3A_94 : memref<1x100xi32, #tpu.memory_space<vmem>> -> memref<100xi32, #tpu.memory_space<vmem>>
        %dma_wait3A_96 = arith.constant 0 : i32
        %dma_wait3A_97 = arith.constant 0 : i32
        %dma_wait3A_98 = tpu.memref_slice %arg10[%dma_wait3A_96, %dma_wait3A_97] : memref<10000x128xf32, #tpu.memory_space<vmem_shared>> -> memref<10000x128xf32, #tpu.memory_space<vmem_shared>>
        tpu.wait_indirect_dma semaphore(%run_scoped3A : memref<!tpu.dma_semaphore, #tpu.memory_space<semaphore_mem>>) src(%arg9 : memref<100x128xf32, #tpu.memory_space<vmem>>) dst(%dma_wait3A_98 : memref<10000x128xf32, #tpu.memory_space<vmem_shared>>)
        tpu.yield
      }) : () -> ()
      %add3A_80 = arith.constant 2 : i32
      %add3A_81 = arith.addi %add3A_60, %add3A_80 : i32
      %lt3A_82 = arith.constant 100 : i32
      %lt3A_83 = arith.cmpi slt, %add3A_81, %lt3A_82 : i32
      %convert_element_type3A_84 = arith.extui %lt3A_83 : i1 to i32
      %cond3A_85 = arith.constant 0 : i32
      %cond3A_86 = arith.cmpi ne, %convert_element_type3A_84, %cond3A_85 : i32
      scf.if %cond3A_86 {
        %add3A_87 = arith.constant 3 : i32
        %add3A_88 = arith.addi %add3A_60, %add3A_87 : i32
        %dma_start3A_89 = arith.constant 0 : i32
        %dma_start3A_90 = tpu.memref_slice %arg6[%add3A_88, %dma_start3A_89] : memref<100x100xi32, #tpu.memory_space<vmem>> -> memref<1x100xi32, #tpu.memory_space<vmem>>
        %dma_start3A_91 = tpu.memref_squeeze %dma_start3A_90 : memref<1x100xi32, #tpu.memory_space<vmem>> -> memref<100xi32, #tpu.memory_space<vmem>>
        %dma_start3A_92 = arith.constant 0 : i32
        %dma_start3A_93 = arith.constant 0 : i32
        %dma_start3A_94 = tpu.memref_slice %arg4[%dma_start3A_92, %dma_start3A_93] : memref<10000x128xf32, #tpu.memory_space<hbm>> -> memref<10000x128xf32, #tpu.memory_space<hbm>>
        tpu.enqueue_indirect_dma source(%dma_start3A_94 : memref<10000x128xf32, #tpu.memory_space<hbm>>) target(%arg9 : memref<100x128xf32, #tpu.memory_space<vmem>>) offsets(%dma_start3A_91 : memref<100xi32, #tpu.memory_space<vmem>>) semaphore(%arg12 : memref<!tpu.dma_semaphore, #tpu.memory_space<semaphore_mem>>)
      } else {
      }
    }
    %scan3A_50 = arith.constant 50 : i32
    %barrier3A_51 = arith.constant 0 : index
    tpu.barrier barrier_id(%barrier3A_51)
    %mul3A_52 = arith.constant 625 : i32
    %mul3A_53 = arith.muli %arg1, %mul3A_52 : i32
    %mul3A_54 = arith.constant 625 : i32
    %mul3A_55 = arith.muli %arg1, %mul3A_54 : i32
    "tpu.region"() ({
      %run_scoped3A = tpu.sem_alloc : memref<!tpu.dma_semaphore, #tpu.memory_space<semaphore_mem>>
      %dma_start3A_56 = arith.constant 0 : i32
      %dma_start3A_57 = tpu.memref_slice %arg5[%arg0, %mul3A_55, %dma_start3A_56] : memref<2x10000x128xf32, #tpu.memory_space<hbm>> -> memref<1x625x128xf32, #tpu.memory_space<hbm>>
      %dma_start3A_58 = tpu.memref_squeeze %dma_start3A_57 : memref<1x625x128xf32, #tpu.memory_space<hbm>> -> memref<625x128xf32, #tpu.memory_space<hbm>>
      %dma_start3A_59 = arith.constant 0 : i32
      %dma_start3A_60 = tpu.memref_slice %arg10[%mul3A_53, %dma_start3A_59] : memref<10000x128xf32, #tpu.memory_space<vmem_shared>> -> memref<625x128xf32, #tpu.memory_space<vmem_shared>>
      tpu.enqueue_dma source(%dma_start3A_60 : memref<625x128xf32, #tpu.memory_space<vmem_shared>>) target(%dma_start3A_58 : memref<625x128xf32, #tpu.memory_space<hbm>>) target_semaphore(%run_scoped3A : memref<!tpu.dma_semaphore, #tpu.memory_space<semaphore_mem>>)
      %dma_wait3A = arith.constant 0 : i32
      %dma_wait3A_61 = tpu.memref_slice %arg5[%arg0, %mul3A_55, %dma_wait3A] : memref<2x10000x128xf32, #tpu.memory_space<hbm>> -> memref<1x625x128xf32, #tpu.memory_space<hbm>>
      %dma_wait3A_62 = tpu.memref_squeeze %dma_wait3A_61 : memref<1x625x128xf32, #tpu.memory_space<hbm>> -> memref<625x128xf32, #tpu.memory_space<hbm>>
      %dma_wait3A_63 = arith.constant 0 : i32
      %dma_wait3A_64 = tpu.memref_slice %arg10[%mul3A_53, %dma_wait3A_63] : memref<10000x128xf32, #tpu.memory_space<vmem_shared>> -> memref<625x128xf32, #tpu.memory_space<vmem_shared>>
      tpu.wait_dma2 semaphore(%run_scoped3A : memref<!tpu.dma_semaphore, #tpu.memory_space<semaphore_mem>>) src(%dma_wait3A_64 : memref<625x128xf32, #tpu.memory_space<vmem_shared>>) dst(%dma_wait3A_62 : memref<625x128xf32, #tpu.memory_space<hbm>>)
      tpu.yield
    }) : () -> ()
    return
  }
}

module attributes {stable_mosaic.version = 14 : i64} {
  func.func @_prep_body(%arg0: i32, %arg1: memref<2x5000x16xf32, #tpu.memory_space<vmem>>, %arg2: memref<5000x128xf32, #tpu.memory_space<vmem>>, %arg3: memref<5000x128xf32, #tpu.memory_space<vmem>>, %arg4: memref<5000x128xf32, #tpu.memory_space<vmem>>) attributes {dimension_semantics = [#tpu.dimension_semantics<arbitrary>], iteration_bounds = array<i64: 2>, scalar_prefetch = 0 : i64, scratch_operands = 0 : i64, tpu.core_type = #tpu.core_type<tc>, window_params = [{transform_indices = @transform_0, window_bounds = array<i64: 2, 5000, 16>}, {transform_indices = @transform_1, window_bounds = array<i64: 5000, 128>}, {transform_indices = @transform_2, window_bounds = array<i64: 5000, 128>}, {transform_indices = @transform_3, window_bounds = array<i64: 5000, 128>}]} {
    %get3A = arith.constant 0 : index
    %get3A_0 = arith.constant 0 : index
    %get3A_1 = arith.constant 0 : index
    %get3A_2 = vector.load %arg1[%get3A, %get3A_0, %get3A_1] : memref<2x5000x16xf32, #tpu.memory_space<vmem>>, vector<1x5000x1xf32>
    %get3A_3 = vector.shape_cast %get3A_2 : vector<1x5000x1xf32> to vector<5000x1xf32>
    %add3A = arith.constant 1.000000e+00 : f32
    %add3A_4 = vector.broadcast %add3A : f32 to vector<5000x1xf32>
    %add3A_5 = arith.addf %add3A_4, %get3A_3 : vector<5000x1xf32>
    %get3A_6 = arith.constant 1 : index
    %get3A_7 = arith.constant 0 : index
    %get3A_8 = arith.constant 0 : index
    %get3A_9 = vector.load %arg1[%get3A_6, %get3A_7, %get3A_8] : memref<2x5000x16xf32, #tpu.memory_space<vmem>>, vector<1x5000x1xf32>
    %get3A_10 = vector.shape_cast %get3A_9 : vector<1x5000x1xf32> to vector<5000x1xf32>
    %add3A_11 = arith.addf %add3A_5, %get3A_10 : vector<5000x1xf32>
    %sqrt3A = math.sqrt %add3A_11 : vector<5000x1xf32>
    %div3A = arith.constant 1.000000e+00 : f32
    %div3A_12 = vector.broadcast %div3A : f32 to vector<5000x1xf32>
    %div3A_13 = arith.divf %div3A_12, %sqrt3A : vector<5000x1xf32>
    %get3A_14 = arith.constant 0 : index
    %get3A_15 = arith.constant 0 : index
    %get3A_16 = vector.load %arg2[%get3A_14, %get3A_15] : memref<5000x128xf32, #tpu.memory_space<vmem>>, vector<5000x128xf32>
    %mul3A = vector.broadcast %div3A_13 : vector<5000x1xf32> to vector<5000x128xf32>
    %mul3A_17 = arith.mulf %get3A_16, %mul3A : vector<5000x128xf32>
    %swap3A = arith.constant 0 : index
    %swap3A_18 = arith.constant 0 : index
    %swap3A_19 = vector.load %arg3[%swap3A, %swap3A_18] : memref<5000x128xf32, #tpu.memory_space<vmem>>, vector<5000x128xf32>
    tpu.vector_store %arg3[%swap3A, %swap3A_18], %mul3A_17 {strides = array<i32>} : memref<5000x128xf32, #tpu.memory_space<vmem>>, vector<5000x128xf32>,
    %broadcast_in_dim3A = vector.shape_cast %div3A_13 : vector<5000x1xf32> to vector<5000x1xf32>
    %broadcast_in_dim3A_20 = vector.broadcast %broadcast_in_dim3A : vector<5000x1xf32> to vector<5000x128xf32>
    %swap3A_21 = arith.constant 0 : index
    %swap3A_22 = arith.constant 0 : index
    %swap3A_23 = vector.load %arg4[%swap3A_21, %swap3A_22] : memref<5000x128xf32, #tpu.memory_space<vmem>>, vector<5000x128xf32>
    tpu.vector_store %arg4[%swap3A_21, %swap3A_22], %broadcast_in_dim3A_20 {strides = array<i32>} : memref<5000x128xf32, #tpu.memory_space<vmem>>, vector<5000x128xf32>,
    return
  }
  func.func @transform_0(%arg0: i32) -> (i32, i32, i32) {
    %c0_i32 = arith.constant 0 : i32
    %c0_i32_0 = arith.constant 0 : i32
    %c0_i32_1 = arith.constant 0 : i32
    return %c0_i32, %arg0, %c0_i32_0 : i32, i32, i32
  }
  func.func @transform_1(%arg0: i32) -> (i32, i32) {
    %c0_i32 = arith.constant 0 : i32
    %c0_i32_0 = arith.constant 0 : i32
    return %arg0, %c0_i32 : i32, i32
  }
  func.func @transform_2(%arg0: i32) -> (i32, i32) {
    %c0_i32 = arith.constant 0 : i32
    %c0_i32_0 = arith.constant 0 : i32
    return %arg0, %c0_i32 : i32, i32
  }
  func.func @transform_3(%arg0: i32) -> (i32, i32) {
    %c0_i32 = arith.constant 0 : i32
    %c0_i32_0 = arith.constant 0 : i32
    return %arg0, %c0_i32 : i32, i32
  }
}

module attributes {stable_mosaic.version = 14 : i64} {
  func.func @_mm_body(%arg0: i32, %arg1: memref<2x5000x128xf32, #tpu.memory_space<vmem>>, %arg2: memref<5000x128xf32, #tpu.memory_space<vmem>>, %arg3: memref<5000x128xf32, #tpu.memory_space<vmem>>, %arg4: memref<128x128xf32, #tpu.memory_space<vmem>>, %arg5: memref<1x128xf32, #tpu.memory_space<vmem>>, %arg6: memref<5000x128xf32, #tpu.memory_space<vmem>>, %arg7: memref<8x128xf32, #tpu.memory_space<vmem>>) attributes {dimension_semantics = [#tpu.dimension_semantics<arbitrary>], iteration_bounds = array<i64: 2>, scalar_prefetch = 0 : i64, scratch_operands = 0 : i64, tpu.core_type = #tpu.core_type<tc>, window_params = [{transform_indices = @transform_0, window_bounds = array<i64: 2, 5000, 128>}, {transform_indices = @transform_1, window_bounds = array<i64: 5000, 128>}, {transform_indices = @transform_2, window_bounds = array<i64: 5000, 128>}, {pipeline_mode = #tpu.pipeline_mode<synchronous>, transform_indices = @transform_3, window_bounds = array<i64: 128, 128>}, {pipeline_mode = #tpu.pipeline_mode<synchronous>, transform_indices = @transform_4, window_bounds = array<i64: 1, 128>}, {transform_indices = @transform_5, window_bounds = array<i64: 5000, 128>}, {pipeline_mode = #tpu.pipeline_mode<synchronous>, transform_indices = @transform_6, window_bounds = array<i64: 8, 128>}]} {
    %get3A = arith.constant 0 : index
    %get3A_0 = arith.constant 0 : index
    %get3A_1 = vector.load %arg3[%get3A, %get3A_0] : memref<5000x128xf32, #tpu.memory_space<vmem>>, vector<5000x128xf32>
    %get3A_2 = arith.constant 0 : index
    %get3A_3 = arith.constant 0 : index
    %get3A_4 = arith.constant 0 : index
    %get3A_5 = vector.load %arg1[%get3A_2, %get3A_3, %get3A_4] : memref<2x5000x128xf32, #tpu.memory_space<vmem>>, vector<1x5000x128xf32>
    %get3A_6 = vector.shape_cast %get3A_5 : vector<1x5000x128xf32> to vector<5000x128xf32>
    %get3A_7 = arith.constant 1 : index
    %get3A_8 = arith.constant 0 : index
    %get3A_9 = arith.constant 0 : index
    %get3A_10 = vector.load %arg1[%get3A_7, %get3A_8, %get3A_9] : memref<2x5000x128xf32, #tpu.memory_space<vmem>>, vector<1x5000x128xf32>
    %get3A_11 = vector.shape_cast %get3A_10 : vector<1x5000x128xf32> to vector<5000x128xf32>
    %add3A = arith.addf %get3A_6, %get3A_11 : vector<5000x128xf32>
    %get3A_12 = arith.constant 0 : index
    %get3A_13 = arith.constant 0 : index
    %get3A_14 = vector.load %arg2[%get3A_12, %get3A_13] : memref<5000x128xf32, #tpu.memory_space<vmem>>, vector<5000x128xf32>
    %add3A_15 = arith.addf %add3A, %get3A_14 : vector<5000x128xf32>
    %mul3A = arith.mulf %get3A_1, %add3A_15 : vector<5000x128xf32>
    %get3A_16 = arith.constant 0 : index
    %get3A_17 = arith.constant 0 : index
    %get3A_18 = vector.load %arg4[%get3A_16, %get3A_17] : memref<128x128xf32, #tpu.memory_space<vmem>>, vector<128x128xf32>
    %dot_general3A = arith.constant dense<0.000000e+00> : vector<5000x128xf32>
    %dot_general3A_19 = tpu.matmul %mul3A, %get3A_18, %dot_general3A {dimension_numbers = #tpu.dot_dimension_numbers<[1], [0], [0], [1], [0, 0, 1, 1], [], []>, transpose_lhs_hint = false} : vector<5000x128xf32>, vector<128x128xf32>, vector<5000x128xf32> -> vector<5000x128xf32>
    %get3A_20 = arith.constant 0 : index
    %get3A_21 = arith.constant 0 : index
    %get3A_22 = vector.load %arg5[%get3A_20, %get3A_21] : memref<1x128xf32, #tpu.memory_space<vmem>>, vector<1x128xf32>
    %add3A_23 = vector.broadcast %get3A_22 : vector<1x128xf32> to vector<5000x128xf32>
    %add3A_24 = arith.addf %dot_general3A_19, %add3A_23 : vector<5000x128xf32>
    %swap3A = arith.constant 0 : index
    %swap3A_25 = arith.constant 0 : index
    %swap3A_26 = vector.load %arg6[%swap3A, %swap3A_25] : memref<5000x128xf32, #tpu.memory_space<vmem>>, vector<5000x128xf32>
    tpu.vector_store %arg6[%swap3A, %swap3A_25], %add3A_24 {strides = array<i32>} : memref<5000x128xf32, #tpu.memory_space<vmem>>, vector<5000x128xf32>,
    %reduce_sum3A = arith.constant dense<0.000000e+00> : vector<128xf32>
    %reduce_sum3A_27 = vector.multi_reduction <add>, %add3A_24, %reduce_sum3A [0] : vector<5000x128xf32> to vector<128xf32>
    %broadcast_in_dim3A = vector.shape_cast %reduce_sum3A_27 : vector<128xf32> to vector<1x128xf32>
    %broadcast_in_dim3A_28 = vector.shape_cast %broadcast_in_dim3A : vector<1x128xf32> to vector<1x128xf32>
    %broadcast_in_dim3A_29 = vector.broadcast %broadcast_in_dim3A_28 : vector<1x128xf32> to vector<4x128xf32>
    %mul3A_30 = arith.mulf %add3A_24, %add3A_24 : vector<5000x128xf32>
    %reduce_sum3A_31 = arith.constant dense<0.000000e+00> : vector<128xf32>
    %reduce_sum3A_32 = vector.multi_reduction <add>, %mul3A_30, %reduce_sum3A_31 [0] : vector<5000x128xf32> to vector<128xf32>
    %broadcast_in_dim3A_33 = vector.shape_cast %reduce_sum3A_32 : vector<128xf32> to vector<1x128xf32>
    %broadcast_in_dim3A_34 = vector.shape_cast %broadcast_in_dim3A_33 : vector<1x128xf32> to vector<1x128xf32>
    %broadcast_in_dim3A_35 = vector.broadcast %broadcast_in_dim3A_34 : vector<1x128xf32> to vector<4x128xf32>
    %concatenate3A = tpu.concatenate %broadcast_in_dim3A_29, %broadcast_in_dim3A_35 in 0 : vector<4x128xf32>, vector<4x128xf32> -> vector<8x128xf32>
    %eq3A = arith.constant 0 : i32
    %eq3A_36 = arith.cmpi eq, %arg0, %eq3A : i32
    %convert_element_type3A = arith.extui %eq3A_36 : i1 to i32
    %cond3A = arith.constant 0 : i32
    %cond3A_37 = arith.cmpi ne, %convert_element_type3A, %cond3A : i32
    scf.if %cond3A_37 {
      %swap3A_42 = arith.constant 0 : index
      %swap3A_43 = arith.constant 0 : index
      %swap3A_44 = vector.load %arg7[%swap3A_42, %swap3A_43] : memref<8x128xf32, #tpu.memory_space<vmem>>, vector<8x128xf32>
      tpu.vector_store %arg7[%swap3A_42, %swap3A_43], %concatenate3A {strides = array<i32>} : memref<8x128xf32, #tpu.memory_space<vmem>>, vector<8x128xf32>,
    } else {
    }
    %gt3A = arith.constant 0 : i32
    %gt3A_38 = arith.cmpi sgt, %arg0, %gt3A : i32
    %convert_element_type3A_39 = arith.extui %gt3A_38 : i1 to i32
    %cond3A_40 = arith.constant 0 : i32
    %cond3A_41 = arith.cmpi ne, %convert_element_type3A_39, %cond3A_40 : i32
    scf.if %cond3A_41 {
      %get3A_42 = arith.constant 0 : index
      %get3A_43 = arith.constant 0 : index
      %get3A_44 = vector.load %arg7[%get3A_42, %get3A_43] : memref<8x128xf32, #tpu.memory_space<vmem>>, vector<8x128xf32>
      %add3A_45 = arith.addf %get3A_44, %concatenate3A : vector<8x128xf32>
      %swap3A_46 = arith.constant 0 : index
      %swap3A_47 = arith.constant 0 : index
      %swap3A_48 = vector.load %arg7[%swap3A_46, %swap3A_47] : memref<8x128xf32, #tpu.memory_space<vmem>>, vector<8x128xf32>
      tpu.vector_store %arg7[%swap3A_46, %swap3A_47], %add3A_45 {strides = array<i32>} : memref<8x128xf32, #tpu.memory_space<vmem>>, vector<8x128xf32>,
    } else {
    }
    return
  }
  func.func @transform_0(%arg0: i32) -> (i32, i32, i32) {
    %c0_i32 = arith.constant 0 : i32
    %c0_i32_0 = arith.constant 0 : i32
    %c0_i32_1 = arith.constant 0 : i32
    return %c0_i32, %arg0, %c0_i32_0 : i32, i32, i32
  }
  func.func @transform_1(%arg0: i32) -> (i32, i32) {
    %c0_i32 = arith.constant 0 : i32
    %c0_i32_0 = arith.constant 0 : i32
    return %arg0, %c0_i32 : i32, i32
  }
  func.func @transform_2(%arg0: i32) -> (i32, i32) {
    %c0_i32 = arith.constant 0 : i32
    %c0_i32_0 = arith.constant 0 : i32
    return %arg0, %c0_i32 : i32, i32
  }
  func.func @transform_3(%arg0: i32) -> (i32, i32) {
    %c0_i32 = arith.constant 0 : i32
    %c0_i32_0 = arith.constant 0 : i32
    %c0_i32_1 = arith.constant 0 : i32
    return %c0_i32, %c0_i32_0 : i32, i32
  }
  func.func @transform_4(%arg0: i32) -> (i32, i32) {
    %c0_i32 = arith.constant 0 : i32
    %c0_i32_0 = arith.constant 0 : i32
    %c0_i32_1 = arith.constant 0 : i32
    return %c0_i32, %c0_i32_0 : i32, i32
  }
  func.func @transform_5(%arg0: i32) -> (i32, i32) {
    %c0_i32 = arith.constant 0 : i32
    %c0_i32_0 = arith.constant 0 : i32
    return %arg0, %c0_i32 : i32, i32
  }
  func.func @transform_6(%arg0: i32) -> (i32, i32) {
    %c0_i32 = arith.constant 0 : i32
    %c0_i32_0 = arith.constant 0 : i32
    %c0_i32_1 = arith.constant 0 : i32
    return %c0_i32, %c0_i32_0 : i32, i32
  }
}

module attributes {stable_mosaic.version = 14 : i64} {
  func.func @_bn_body(%arg0: i32, %arg1: memref<5000x128xf32, #tpu.memory_space<vmem>>, %arg2: memref<8x128xf32, #tpu.memory_space<vmem>>, %arg3: memref<1x128xf32, #tpu.memory_space<vmem>>, %arg4: memref<1x128xf32, #tpu.memory_space<vmem>>, %arg5: memref<5000x128xf32, #tpu.memory_space<vmem>>, %arg6: memref<5000x128xf32, #tpu.memory_space<vmem>>, %arg7: memref<5000x128xf32, #tpu.memory_space<vmem>>) attributes {dimension_semantics = [#tpu.dimension_semantics<arbitrary>], iteration_bounds = array<i64: 2>, scalar_prefetch = 0 : i64, scratch_operands = 0 : i64, tpu.core_type = #tpu.core_type<tc>, window_params = [{transform_indices = @transform_0, window_bounds = array<i64: 5000, 128>}, {pipeline_mode = #tpu.pipeline_mode<synchronous>, transform_indices = @transform_1, window_bounds = array<i64: 8, 128>}, {pipeline_mode = #tpu.pipeline_mode<synchronous>, transform_indices = @transform_2, window_bounds = array<i64: 1, 128>}, {pipeline_mode = #tpu.pipeline_mode<synchronous>, transform_indices = @transform_3, window_bounds = array<i64: 1, 128>}, {transform_indices = @transform_4, window_bounds = array<i64: 5000, 128>}, {transform_indices = @transform_5, window_bounds = array<i64: 5000, 128>}, {transform_indices = @transform_6, window_bounds = array<i64: 5000, 128>}]} {
    %get3A = arith.constant 0 : index
    %get3A_0 = arith.constant 0 : index
    %get3A_1 = vector.load %arg2[%get3A, %get3A_0] : memref<8x128xf32, #tpu.memory_space<vmem>>, vector<1x128xf32>
    %mul3A = arith.constant 9.99999974E-5 : f32
    %mul3A_2 = vector.broadcast %mul3A : f32 to vector<1x128xf32>
    %mul3A_3 = arith.mulf %get3A_1, %mul3A_2 : vector<1x128xf32>
    %get3A_4 = arith.constant 4 : index
    %get3A_5 = arith.constant 0 : index
    %get3A_6 = vector.load %arg2[%get3A_4, %get3A_5] : memref<8x128xf32, #tpu.memory_space<vmem>>, vector<1x128xf32>
    %mul3A_7 = arith.constant 9.99999974E-5 : f32
    %mul3A_8 = vector.broadcast %mul3A_7 : f32 to vector<1x128xf32>
    %mul3A_9 = arith.mulf %get3A_6, %mul3A_8 : vector<1x128xf32>
    %mul3A_10 = arith.mulf %mul3A_3, %mul3A_3 : vector<1x128xf32>
    %sub3A = arith.subf %mul3A_9, %mul3A_10 : vector<1x128xf32>
    %get3A_11 = arith.constant 0 : index
    %get3A_12 = arith.constant 0 : index
    %get3A_13 = vector.load %arg3[%get3A_11, %get3A_12] : memref<1x128xf32, #tpu.memory_space<vmem>>, vector<1x128xf32>
    %add3A = arith.constant 9.99999974E-6 : f32
    %add3A_14 = vector.broadcast %add3A : f32 to vector<1x128xf32>
    %add3A_15 = arith.addf %sub3A, %add3A_14 : vector<1x128xf32>
    %sqrt3A = math.sqrt %add3A_15 : vector<1x128xf32>
    %div3A = arith.divf %get3A_13, %sqrt3A : vector<1x128xf32>
    %get3A_16 = arith.constant 0 : index
    %get3A_17 = arith.constant 0 : index
    %get3A_18 = vector.load %arg1[%get3A_16, %get3A_17] : memref<5000x128xf32, #tpu.memory_space<vmem>>, vector<5000x128xf32>
    %sub3A_19 = vector.broadcast %mul3A_3 : vector<1x128xf32> to vector<5000x128xf32>
    %sub3A_20 = arith.subf %get3A_18, %sub3A_19 : vector<5000x128xf32>
    %mul3A_21 = vector.broadcast %div3A : vector<1x128xf32> to vector<5000x128xf32>
    %mul3A_22 = arith.mulf %sub3A_20, %mul3A_21 : vector<5000x128xf32>
    %get3A_23 = arith.constant 0 : index
    %get3A_24 = arith.constant 0 : index
    %get3A_25 = vector.load %arg4[%get3A_23, %get3A_24] : memref<1x128xf32, #tpu.memory_space<vmem>>, vector<1x128xf32>
    %add3A_26 = vector.broadcast %get3A_25 : vector<1x128xf32> to vector<5000x128xf32>
    %add3A_27 = arith.addf %mul3A_22, %add3A_26 : vector<5000x128xf32>
    %max3A = arith.constant 0.000000e+00 : f32
    %max3A_28 = vector.broadcast %max3A : f32 to vector<5000x128xf32>
    %max3A_29 = arith.maximumf %add3A_27, %max3A_28 : vector<5000x128xf32>
    %swap3A = arith.constant 0 : index
    %swap3A_30 = arith.constant 0 : index
    %swap3A_31 = vector.load %arg6[%swap3A, %swap3A_30] : memref<5000x128xf32, #tpu.memory_space<vmem>>, vector<5000x128xf32>
    tpu.vector_store %arg6[%swap3A, %swap3A_30], %max3A_29 {strides = array<i32>} : memref<5000x128xf32, #tpu.memory_space<vmem>>, vector<5000x128xf32>,
    %get3A_32 = arith.constant 0 : index
    %get3A_33 = arith.constant 0 : index
    %get3A_34 = vector.load %arg5[%get3A_32, %get3A_33] : memref<5000x128xf32, #tpu.memory_space<vmem>>, vector<5000x128xf32>
    %mul3A_35 = arith.mulf %max3A_29, %get3A_34 : vector<5000x128xf32>
    %swap3A_36 = arith.constant 0 : index
    %swap3A_37 = arith.constant 0 : index
    %swap3A_38 = vector.load %arg7[%swap3A_36, %swap3A_37] : memref<5000x128xf32, #tpu.memory_space<vmem>>, vector<5000x128xf32>
    tpu.vector_store %arg7[%swap3A_36, %swap3A_37], %mul3A_35 {strides = array<i32>} : memref<5000x128xf32, #tpu.memory_space<vmem>>, vector<5000x128xf32>,
    return
  }
  func.func @transform_0(%arg0: i32) -> (i32, i32) {
    %c0_i32 = arith.constant 0 : i32
    %c0_i32_0 = arith.constant 0 : i32
    return %arg0, %c0_i32 : i32, i32
  }
  func.func @transform_1(%arg0: i32) -> (i32, i32) {
    %c0_i32 = arith.constant 0 : i32
    %c0_i32_0 = arith.constant 0 : i32
    %c0_i32_1 = arith.constant 0 : i32
    return %c0_i32, %c0_i32_0 : i32, i32
  }
  func.func @transform_2(%arg0: i32) -> (i32, i32) {
    %c0_i32 = arith.constant 0 : i32
    %c0_i32_0 = arith.constant 0 : i32
    %c0_i32_1 = arith.constant 0 : i32
    return %c0_i32, %c0_i32_0 : i32, i32
  }
  func.func @transform_3(%arg0: i32) -> (i32, i32) {
    %c0_i32 = arith.constant 0 : i32
    %c0_i32_0 = arith.constant 0 : i32
    %c0_i32_1 = arith.constant 0 : i32
    return %c0_i32, %c0_i32_0 : i32, i32
  }
  func.func @transform_4(%arg0: i32) -> (i32, i32) {
    %c0_i32 = arith.constant 0 : i32
    %c0_i32_0 = arith.constant 0 : i32
    return %arg0, %c0_i32 : i32, i32
  }
  func.func @transform_5(%arg0: i32) -> (i32, i32) {
    %c0_i32 = arith.constant 0 : i32
    %c0_i32_0 = arith.constant 0 : i32
    return %arg0, %c0_i32 : i32, i32
  }
  func.func @transform_6(%arg0: i32) -> (i32, i32) {
    %c0_i32 = arith.constant 0 : i32
    %c0_i32_0 = arith.constant 0 : i32
    return %arg0, %c0_i32 : i32, i32
  }
}

module attributes {stable_mosaic.version = 14 : i64} {
  func.func @_bn_body_last(%arg0: i32, %arg1: memref<5000x128xf32, #tpu.memory_space<vmem>>, %arg2: memref<8x128xf32, #tpu.memory_space<vmem>>, %arg3: memref<1x128xf32, #tpu.memory_space<vmem>>, %arg4: memref<1x128xf32, #tpu.memory_space<vmem>>, %arg5: memref<5000x128xf32, #tpu.memory_space<vmem>>, %arg6: memref<5000x128xf32, #tpu.memory_space<vmem>>) attributes {dimension_semantics = [#tpu.dimension_semantics<arbitrary>], iteration_bounds = array<i64: 2>, scalar_prefetch = 0 : i64, scratch_operands = 0 : i64, tpu.core_type = #tpu.core_type<tc>, window_params = [{transform_indices = @transform_0, window_bounds = array<i64: 5000, 128>}, {pipeline_mode = #tpu.pipeline_mode<synchronous>, transform_indices = @transform_1, window_bounds = array<i64: 8, 128>}, {pipeline_mode = #tpu.pipeline_mode<synchronous>, transform_indices = @transform_2, window_bounds = array<i64: 1, 128>}, {pipeline_mode = #tpu.pipeline_mode<synchronous>, transform_indices = @transform_3, window_bounds = array<i64: 1, 128>}, {transform_indices = @transform_4, window_bounds = array<i64: 5000, 128>}, {transform_indices = @transform_5, window_bounds = array<i64: 5000, 128>}]} {
    %get3A = arith.constant 0 : index
    %get3A_0 = arith.constant 0 : index
    %get3A_1 = vector.load %arg2[%get3A, %get3A_0] : memref<8x128xf32, #tpu.memory_space<vmem>>, vector<1x128xf32>
    %mul3A = arith.constant 9.99999974E-5 : f32
    %mul3A_2 = vector.broadcast %mul3A : f32 to vector<1x128xf32>
    %mul3A_3 = arith.mulf %get3A_1, %mul3A_2 : vector<1x128xf32>
    %get3A_4 = arith.constant 4 : index
    %get3A_5 = arith.constant 0 : index
    %get3A_6 = vector.load %arg2[%get3A_4, %get3A_5] : memref<8x128xf32, #tpu.memory_space<vmem>>, vector<1x128xf32>
    %mul3A_7 = arith.constant 9.99999974E-5 : f32
    %mul3A_8 = vector.broadcast %mul3A_7 : f32 to vector<1x128xf32>
    %mul3A_9 = arith.mulf %get3A_6, %mul3A_8 : vector<1x128xf32>
    %mul3A_10 = arith.mulf %mul3A_3, %mul3A_3 : vector<1x128xf32>
    %sub3A = arith.subf %mul3A_9, %mul3A_10 : vector<1x128xf32>
    %get3A_11 = arith.constant 0 : index
    %get3A_12 = arith.constant 0 : index
    %get3A_13 = vector.load %arg3[%get3A_11, %get3A_12] : memref<1x128xf32, #tpu.memory_space<vmem>>, vector<1x128xf32>
    %add3A = arith.constant 9.99999974E-6 : f32
    %add3A_14 = vector.broadcast %add3A : f32 to vector<1x128xf32>
    %add3A_15 = arith.addf %sub3A, %add3A_14 : vector<1x128xf32>
    %sqrt3A = math.sqrt %add3A_15 : vector<1x128xf32>
    %div3A = arith.divf %get3A_13, %sqrt3A : vector<1x128xf32>
    %get3A_16 = arith.constant 0 : index
    %get3A_17 = arith.constant 0 : index
    %get3A_18 = vector.load %arg1[%get3A_16, %get3A_17] : memref<5000x128xf32, #tpu.memory_space<vmem>>, vector<5000x128xf32>
    %sub3A_19 = vector.broadcast %mul3A_3 : vector<1x128xf32> to vector<5000x128xf32>
    %sub3A_20 = arith.subf %get3A_18, %sub3A_19 : vector<5000x128xf32>
    %mul3A_21 = vector.broadcast %div3A : vector<1x128xf32> to vector<5000x128xf32>
    %mul3A_22 = arith.mulf %sub3A_20, %mul3A_21 : vector<5000x128xf32>
    %get3A_23 = arith.constant 0 : index
    %get3A_24 = arith.constant 0 : index
    %get3A_25 = vector.load %arg4[%get3A_23, %get3A_24] : memref<1x128xf32, #tpu.memory_space<vmem>>, vector<1x128xf32>
    %add3A_26 = vector.broadcast %get3A_25 : vector<1x128xf32> to vector<5000x128xf32>
    %add3A_27 = arith.addf %mul3A_22, %add3A_26 : vector<5000x128xf32>
    %max3A = arith.constant 0.000000e+00 : f32
    %max3A_28 = vector.broadcast %max3A : f32 to vector<5000x128xf32>
    %max3A_29 = arith.maximumf %add3A_27, %max3A_28 : vector<5000x128xf32>
    %swap3A = arith.constant 0 : index
    %swap3A_30 = arith.constant 0 : index
    %swap3A_31 = vector.load %arg6[%swap3A, %swap3A_30] : memref<5000x128xf32, #tpu.memory_space<vmem>>, vector<5000x128xf32>
    tpu.vector_store %arg6[%swap3A, %swap3A_30], %max3A_29 {strides = array<i32>} : memref<5000x128xf32, #tpu.memory_space<vmem>>, vector<5000x128xf32>,
    return
  }
  func.func @transform_0(%arg0: i32) -> (i32, i32) {
    %c0_i32 = arith.constant 0 : i32
    %c0_i32_0 = arith.constant 0 : i32
    return %arg0, %c0_i32 : i32, i32
  }
  func.func @transform_1(%arg0: i32) -> (i32, i32) {
    %c0_i32 = arith.constant 0 : i32
    %c0_i32_0 = arith.constant 0 : i32
    %c0_i32_1 = arith.constant 0 : i32
    return %c0_i32, %c0_i32_0 : i32, i32
  }
  func.func @transform_2(%arg0: i32) -> (i32, i32) {
    %c0_i32 = arith.constant 0 : i32
    %c0_i32_0 = arith.constant 0 : i32
    %c0_i32_1 = arith.constant 0 : i32
    return %c0_i32, %c0_i32_0 : i32, i32
  }
  func.func @transform_3(%arg0: i32) -> (i32, i32) {
    %c0_i32 = arith.constant 0 : i32
    %c0_i32_0 = arith.constant 0 : i32
    %c0_i32_1 = arith.constant 0 : i32
    return %c0_i32, %c0_i32_0 : i32, i32
  }
  func.func @transform_4(%arg0: i32) -> (i32, i32) {
    %c0_i32 = arith.constant 0 : i32
    %c0_i32_0 = arith.constant 0 : i32
    return %arg0, %c0_i32 : i32, i32
  }
  func.func @transform_5(%arg0: i32) -> (i32, i32) {
    %c0_i32 = arith.constant 0 : i32
    %c0_i32_0 = arith.constant 0 : i32
    return %arg0, %c0_i32 : i32, i32
  }
}

</mosaic_0001>

<sc_bundles>
// kernel: kernel.10.cloned.1.call-start
scs
__scs_entry_jumppad:
0x0: {  	(pc) =	sbr.rel $0x88, $3  }
0x1: {  	(tag) =	ssettag $0x0;
	lr =	simm.s32 $0x1  }
0x2: {  	[smem:$0x3F97] =	sst lr;
	_ =	strace $0xD0000000  }
0x3: {  	_ = 	snop  }
0x4: {  	_ = 	snop  }
0x5: {  	_ = 	snop  }
0x6: {  	_ = 	snop  }
0x7: {  	_ = 	snop  }
__scs_overlays_trampoline_lowered:
0x8: {  	[smem:$0x3FA6] =	sst s0  }
0x9: {  	[smem:$0x3FA7] =	sst s1  }
0xa: {  	[smem:$0x3FA8] =	sst s2  }
0xb: {  	[smem:$0x3FA9] =	sst s3  }
0xc: {  	[smem:$0x3FAA] =	sst s4  }
0xd: {  	[smem:$0x3FAB] =	sst s5  }
0xe: {  	[smem:$0x3FAC] =	sst s6  }
0xf: {  	[smem:$0x3FAD] =	sst s7  }
0x10: {  	[smem:$0x3FAE] =	sst s8  }
0x11: {  	[smem:$0x3FAF] =	sst s9;
	s0 =	simm.s32 @!p0 $0x0  }
0x12: {  	s1 =	sld [smem:$0x3F95];
	s0 =	simm.s32 @p0 $0x1  }
0x13: {  	[smem:$0x3FB0] =	sst s0;
	s0 =	simm.s32 @!p1 $0x0  }
0x14: {  	s2 =	sld [smem:$0x3F94];
	s0 =	simm.s32 @p1 $0x1  }
0x15: {  	[smem:$0x3FB1] =	sst s0;
	s0 =	simm.s32 @!p2 $0x0  }
0x16: {  	s3 =	sld [smem:$0x3FDB];
	s0 =	simm.s32 @p2 $0x1  }
0x17: {  	s4 =	simm.s32 $0x1BF5;
	[smem:$0x3FB3] =	sst s0  }
0x18: {  	s0 =	sld [smem:$0x3F96];
	_ =	swait.ge [sflag:s4], $0x0  }
0x19: {  	s7 =	sld [smem:$0x3F97]  }
0x1a: {  	s8 =	sadd.s32 $0xFFFFE003, lr  }
0x1b: {  	s9 =	sadd.s32 $0xFFFFFEF7, lr;
	s5 =	simm.s32 $0xFFFFFFFF;
	p2 =	slt.u32 s8, $0xFFFFF086  }
0x1c: {  	p1 =	slt.u32 s9, $0xF7A;
	s5 =	simm.s32 @!p2 $0x0  }
0x1d: {  	s5 =	simm.s32 @p1 $0x1;
	p0 =	seq.s32 s7, s2  }
0x1e: {  	s7 =	smul.u32 @!p0 $0xF7A, s2;
	p2 =	seq.s32 @!p0 s5, $0x0  }
0x1f: {  	s9 =	smul.u32 $0xF7A, s1;
	s8 =	simm.s32 @!p0 $0x1BF5;
	p2 =	por !p2, p0  }
0x20: {  	[sflag:s8] =	ssyncset.s32 @!p0 $0xFFFFF086;
	s6 =	sadd.s32 @!p0 s3, s7;
	s7 =	simm.s32 @!p0 $0x108  }
0x21: {  	s3 =	sadd.s32 s3, s9;
	s6 =	sadd.s32 @!p0 $0x88, s6;
	s7 =	simm.s32 @p2 $0x1082  }
0x22: {  	[simem:s7], [sflag:s8] =	dma.local @!p0 [hbm:s6], $0xF7A  }
0x23: {  	s9 =	sor.u32 $0xD0000000, s2;
	s6 =	simm.s32 $0x108;
	_ =	swait.ge @!p0 [sflag:s8], $0x0  }
0x24: {  	s3 =	sadd.s32 $0x88, s3;
	s6 =	simm.s32 @!p1 $0x1082;
	[sflag:s4] =	ssyncset.s32 $0xFFFFF086  }
0x25: {  	[simem:s6], [sflag:s4] =	dma.local [hbm:s3], $0xF7A  }
0x26: {  	[smem:$0x3F97] =	sst s1;
	(tag) =	ssettag s2;
	_ =	strace s9  }
0x27: {  	s1 =	sld [smem:$0x3FA7]  }
0x28: {  	s2 =	sld [smem:$0x3FA8]  }
0x29: {  	s4 =	sld [smem:$0x3FAA]  }
0x2a: {  	p0 =	seq.s32 s5, $0x0;
	s5 =	sld [smem:$0x3FAB]  }
0x2b: {  	s6 =	sld [smem:$0x3FAC]  }
0x2c: {  	s7 =	sld [smem:$0x3FAD]  }
0x2d: {  	s3 =	simm.s32 $0x108;
	s8 =	sld [smem:$0x3FAE]  }
0x2e: {  	s3 =	simm.s32 @!p0 $0x1082;
	s9 =	sld [smem:$0x3FAF]  }
0x2f: {  	lr =	sadd.s32 s0, s3;
	s0 =	sld [smem:$0x3FA6]  }
0x30: {  	s3 =	sld [smem:$0x3FA9]  }
0x31: {  	[smem:$0x3FB2] =	sst s10  }
0x32: {  	s10 =	sld [smem:$0x3FB0];
	_ =	sdelay $0x3  }
0x33: {  	p0 =	seq.s32 s10, $0x1;
	s10 =	sld [smem:$0x3FB2];
	_ =	sdelay $0x3  }
0x34: {  	[smem:$0x3FB2] =	sst s10  }
0x35: {  	s10 =	sld [smem:$0x3FB1];
	_ =	sdelay $0x3  }
0x36: {  	p1 =	seq.s32 s10, $0x1;
	s10 =	sld [smem:$0x3FB2];
	_ =	sdelay $0x3  }
0x37: {  	[smem:$0x3FB2] =	sst s10  }
0x38: {  	s10 =	sld [smem:$0x3FB3]  }
0x39: {  	_ = 	snop;
	(pc) =	sbr.ind lr, $3  }
0x3a: {  	_ = 	snop  }
0x3b: {  	_ = 	snop  }
0x3c: {  	p2 =	seq.s32 s10, $0x1;
	s10 =	sld [smem:$0x3FB2]  }
0x3d: {  	_ =	shalt  }
0x3e: {  	_ =	shalt  }
0x3f: {  	_ =	shalt  }
0x40: {  	_ =	shalt  }
0x41: {  	_ =	shalt  }
0x42: {  	_ =	shalt  }
0x43: {  	_ =	shalt  }
0x44: {  	_ =	shalt  }
0x45: {  	_ =	shalt  }
0x46: {  	_ =	shalt  }
0x47: {  	_ =	shalt  }
0x48: {  	_ =	shalt  }
0x49: {  	_ =	shalt  }
0x4a: {  	_ =	shalt  }
0x4b: {  	_ =	shalt  }
0x4c: {  	_ =	shalt  }
0x4d: {  	_ =	shalt  }
0x4e: {  	_ =	shalt  }
0x4f: {  	_ =	shalt  }
0x50: {  	_ =	shalt  }
0x51: {  	_ =	shalt  }
0x52: {  	_ =	shalt  }
0x53: {  	_ =	shalt  }
0x54: {  	_ =	shalt  }
0x55: {  	_ =	shalt  }
0x56: {  	_ =	shalt  }
0x57: {  	_ =	shalt  }
0x58: {  	_ =	shalt  }
0x59: {  	_ =	shalt  }
0x5a: {  	_ =	shalt  }
0x5b: {  	_ =	shalt  }
0x5c: {  	_ =	shalt  }
0x5d: {  	_ =	shalt  }
0x5e: {  	_ =	shalt  }
0x5f: {  	_ =	shalt  }
0x60: {  	_ =	shalt  }
0x61: {  	_ =	shalt  }
0x62: {  	_ =	shalt  }
0x63: {  	_ =	shalt  }
0x64: {  	_ =	shalt  }
0x65: {  	_ =	shalt  }
0x66: {  	_ =	shalt  }
0x67: {  	_ =	shalt  }
0x68: {  	_ =	shalt  }
0x69: {  	_ =	shalt  }
0x6a: {  	_ =	shalt  }
0x6b: {  	_ =	shalt  }
0x6c: {  	_ =	shalt  }
0x6d: {  	_ =	shalt  }
0x6e: {  	_ =	shalt  }
0x6f: {  	_ =	shalt  }
0x70: {  	_ =	shalt  }
0x71: {  	_ =	shalt  }
0x72: {  	_ =	shalt  }
0x73: {  	_ =	shalt  }
0x74: {  	_ =	shalt  }
0x75: {  	_ =	shalt  }
0x76: {  	_ =	shalt  }
0x77: {  	_ =	shalt  }
0x78: {  	_ =	shalt  }
0x79: {  	_ =	shalt  }
0x7a: {  	_ =	shalt  }
0x7b: {  	_ =	shalt  }
0x7c: {  	_ =	shalt  }
0x7d: {  	_ =	shalt  }
0x7e: {  	_ =	shalt  }
0x7f: {  	_ =	shalt  }
0x80: {  	_ =	shalt  }
0x81: {  	_ =	shalt  }
0x82: {  	_ =	shalt  }
0x83: {  	_ =	shalt  }
0x84: {  	_ =	shalt  }
0x85: {  	_ =	shalt  }
0x86: {  	_ =	shalt  }
0x87: {  	_ =	shalt  }
.Lfunc_end0:
.L_simem_size_0:
called_computation_lowered:
.L_overlay_start_0:
0x88: {  	s2 =	sld [smem:$0x3FD9]  }
0x89: {  	s3 =	sld [smem:$0x3FFE];
	_ =	sdelay $0x1  }
0x8a: {  	s1 =	srdreg.scid  }
0x8b: {  	s0 =	sand.u32 $0x1, s1  }
0x8c: {  	s17 =	sshll.u32 s0, $0xA;
	s2 =	sadd.s32 s3, s2  }
0x8d: {  	s2 =	sadd.s32 s2, s17  }
0x8e: {  	[smem:$0x3FBE] =	sst s2  }
0x8f: {  	_ = 	snop  }
0x90: {  	s2 =	sld [smem:$0x3FD0];
	(tm) =	ssettm $0x1  }
0x91: {  	s18 =	sld [smem:$0x3FFB];
	_ =	sdelay $0x3  }
0x92: {  	_ =	strace s18  }
0x93: {  	s3 =	sld [smem:$0x3FFC];
	_ =	sdelay $0x3  }
0x94: {  	_ =	strace s3  }
0x95: {  	s3 =	sld [smem:$0x3FFD];
	_ =	sdelay $0x3  }
0x96: {  	_ =	strace s3  }
0x97: {  	_ =	strace $0x8FFFFFFF  }
0x98: {  	s19 =	sld [smem:$0x3FDB];
	_ =	sdelay $0x1  }
0x99: {  	s4 =	simm.s32 $_scs_section_size  }
0x9a: {  	s5 =	simm.s32 $_size__tile_overlayer_lowered;
	s6 =	simm.s32 $_tile_overlayer_lowered  }
0x9b: {  	s22 =	simm.s32 $0x1BFF;
	s21 =	sshll.u32 s6, $0x1;
	s3 =	sadd.s32 s4, s19  }
0x9c: {  	s7 =	simm.s32 $0x0;
	s20 =	sshll.u32 s5, $0x1;
	s5 =	sadd.s32 s21, s3  }
0x9d: {  	[timem:s7], [sflag:s22] =	dma.local [hbm:s5], s20  }
0x9e: {  	_ =	swait.ge [sflag:s22], s20  }
0x9f: {  	s4 =	ssub.s32 $0x0, s20;
	[sflag:s22] =	ssyncset.done $0x0  }
0xa0: {  	[sflag:s22] =	ssyncadd.s32 s4;
	_ =	sdelay $0x1  }
0xa1: {  	s23 =	simm.s32 $0x1B8B  }
0xa2: {  	_ =	swait.ge [sflag:s23], $0x1  }
0xa3: {  	[sflag:s23] =	ssyncset.done $0x0  }
0xa4: {  	s25 =	simm.s32 $0x1B8E;
	s24 =	sld [smem:$0x3FFE];
	[sflag:s23] =	ssyncadd.s32 $0xFFFFFFFF  }
0xa5: {  	s26 =	simm.s32 $execute0_lowered;
	[smem:$0x3FD2] =	sst s25  }
0xa6: {  	s5 =	sshll.u32 s26, $0x1;
	_ =	strace $0x80000046;
	[dreg:$0x1] =	wrdreg $0xFFFFFFFF  }
0xa7: {  	s28 =	simm.s32 $_size_execute0_lowered;
	s3 =	sadd.s32 s3, s5;
	[dreg:$0x0] =	wrdreg $0x0  }
0xa8: {  	s5 =	sshll.u32 s28, $0x1;
	[dreg:$0x2] =	wrdreg s3  }
0xa9: {  	[dreg:$0x3] =	wrdreg s5  }
0xaa: {  	[dreg:$0x4] =	wrdreg $0xC0  }
0xab: {  	_ =	task [dreg:s7], $0x5FFFF  }
0xac: {  	[dreg:$0x1] =	wrdreg $0xFFFFFFFF  }
0xad: {  	[dreg:$0x0] =	wrdreg $0x60  }
0xae: {  	[dreg:$0x2] =	wrdreg s24  }
0xaf: {  	[dreg:$0x3] =	wrdreg s2  }
0xb0: {  	[dreg:$0x4] =	wrdreg $0x36B00  }
0xb1: {  	[dreg:$0x5] =	wrdreg $0x9  }
0xb2: {  	_ =	task.clear_ibuf [dreg:s7], $0x6FFFF;
	_ =	strace $0x90000046  }
0xb3: {  	s29 =	simm.s32 $0x9;
	_ =	strace $0x80000048  }
0xb4: {  	_ =	swait.ge [sflag:s29], $0x1  }
0xb5: {  	[sflag:s29] =	ssyncadd.s32 $0xFFFFFFFF  }
0xb6: {  	_ =	strace $0x90000048  }
0xb7: {  	_ =	sfence  }
0xb8: {  	s30 =	sld [smem:$0x0];
	_ =	sdelay $0x2  }
0xb9: {  	s31 =	sshll.u32 s1, $0xD;
	s1 =	sshrl.u32 s1, $0x2  }
0xba: {  	s3 =	sand.u32 $0x4000, s31;
	s1 =	sadd.s32 s1, s30  }
0xbb: {  	s0 =	sor.u32 s3, s0;
	s1 =	sshll.u32 s1, $0x11  }
0xbc: {  	s0 =	sor.u32 s1, s0  }
0xbd: {  	s0 =	sadd.s32 $0x8F2B, s0  }
0xbe: {  	[sflag:s0] =	ssyncadd.remote.s32 $0x1  }
0xbf: {  	_ =	sfence.sel $0xFFFF  }
0xc0: {  	[dreg:$0x0] =	wrdreg $0xFFFFFFFF;
	(pc) =	sbr.abs _section_cstart, $3  }
0xc1: {  	[dreg:$0x1] =	wrdreg $0xFFFFFFFF  }
0xc2: {  	_ =	task.clear_ibuf [dreg:s7], $0x2FFFF;
	_ =	strace $0x9FFFFFFF  }
0xc3: {  	(tm) =	ssettm $0x7FFFFFFF  }
tec
execute0_lowered:
.L_overlay_start_1:
0x0: {  	(tag) =	ssettag $0x1  }
0x1: {  	s4 =	rddreg [dreg:$0x0]  }
0x2: {  	s11 =	rddreg [dreg:$0x1];
	s1 =	srdreg.scid  }
0x3: {  	s0 =	stileid.u32;
	s2 =	rddreg [dreg:$0x2]  }
0x4: {  	s3 =	simm.s32 $0x0;
	s14 =	simm.s32 $0x28A0;
	s15 =	simm.s32 $0x2EE0  }
0x5: {  	s16 =	simm.s32 $0x1;
	s19 =	simm.s32 $0x0;
	s5 =	sand.u32 $0x1, s1  }
0x6: {  	s6 =	sshll.u32 s0, $0x1;
	s1 =	rddreg [dreg:$0x3];
	s7 =	smul.u32 $0x2710, s0  }
0x7: {  	[smem:$0x7FF] =	sst s3;
	s9 =	smul.u32 $0x9C40, s0;
	s17 =	sshll.u32 s0, $0x6  }
0x8: {  	s6 =	sor.u32 s5, s6;
	s8 =	ssub.s32 $0x2, s5;
	s12 =	smul.u32 $0x27100, s5  }
0x9: {  	_ =	strace $0x80000047;
	s6 =	smul.u32 $0x514, s6;
	s10 =	sshrl.u32 s8, $0x1  }
0xa: {  	s17 =	sor.u32 $0x1C02, s17;
	s29 =	sshrl.u32 s9, $0x2;
	s13 =	ssub.s32 s8, s10  }
0xb: {  	s30 =	sadd.s32 s29, s2;
	s31 =	sadd.s32 s7, s12;
	s6 =	sadd.s32 s6, s4  }
0xc: {  	s4 =	sadd.s32 $0xDC00, s4;
	s8 =	sadd.s32 $0xFA0, s30;
	s12 =	sshrl.u32 s31, $0x3  }
0xd: {  	s9 =	sadd.s32 $0x1770, s30;
	s10 =	sadd.s32 $0x1F40, s30;
	s5 =	sadd.s32 $0x3800, s6  }
0xe: {  	s6 =	sadd.s32 s7, s2;
	s7 =	sadd.s32 $0x7D0, s30;
	s11 =	sadd.s32 s11, s12  }
0xf: {  	v0 =	vimm.f32 $0.0e+00;
	s12 =	smax.u32 s13, $0x1;
	s13 =	simm.s32 $0x2;
	s18 =	sshrl.u32 s6, $0x3  }
.LBB2_1:
0x10: {  	[tilespmem:s3], [sflag:$0x2] =	stream.linear.gather [hbm4b:s5+s3], $0x28A0, $0x38;
	[tilespmem:$0x5DC0] =	vst v63  }
0x11: {  	_ =	swait.ge [sflag:s13], $0x28A0  }
0x12: {  	[sflag:s13] =	ssyncset.done $0x0  }
0x13: {  	[sflag:s13] =	ssyncadd.s32 $0xFFFFD760  }
0x14: {  	[tilespmem:s14], [sflag:$0x2] =	stream.linear.gather [hbm4b:s4+s3], $0x640, $0x38;
	[tilespmem:$0x5DC0] =	vst v63  }
0x15: {  	_ =	swait.ge [sflag:s13], $0x640  }
0x16: {  	[sflag:s13] =	ssyncset.done $0x0  }
0x17: {  	s20 =	simm.s32 $0x40;
	s21 =	simm.s32 $0x0;
	[sflag:s13] =	ssyncadd.s32 $0xFFFFF9C0  }
.LBB2_2:
0x18: {  	p0 =	sne.s32 s20, $0x1F00;
	[tilespmem:s21+$0x2EE0] =	vst v0;
	s21 =	smov.u32 s20;
	s20 =	sadd.s32 $0x40, s20  }
.Ltmp0:
0x19: {  	(pc) =	sbr.rel @p0 .LBB2_2-.Ltmp0, $2  }
0x1a: {  	_ =	sdelay $0x2  }
0x1b: {  	s21 =	sshra.s32 s21, $0x2  }
0x1c: {  	[tilespmem:s21+$0x2EE0] =	vst v0  }
0x1d: {  	[spmem:s6] =	stream.linear.scatter [tilespmem:s15], [sflag:$0x2], $0x7D0, $0x38;
	[tilespmem:$0x5DC0] =	vst v63  }
0x1e: {  	_ =	swait.ge [sflag:s13], $0x7D0  }
0x1f: {  	[sflag:s13] =	ssyncset.done $0x0  }
0x20: {  	[sflag:s13] =	ssyncadd.s32 $0xFFFFF830  }
0x21: {  	[spmem:s7] =	stream.linear.scatter [tilespmem:s15], [sflag:$0x2], $0x7D0, $0x38;
	[tilespmem:$0x5DC0] =	vst v63  }
0x22: {  	_ =	swait.ge [sflag:s13], $0x7D0  }
0x23: {  	[sflag:s13] =	ssyncset.done $0x0  }
0x24: {  	[sflag:s13] =	ssyncadd.s32 $0xFFFFF830  }
0x25: {  	[spmem:s8] =	stream.linear.scatter [tilespmem:s15], [sflag:$0x2], $0x7D0, $0x38;
	[tilespmem:$0x5DC0] =	vst v63  }
0x26: {  	_ =	swait.ge [sflag:s13], $0x7D0  }
0x27: {  	[sflag:s13] =	ssyncset.done $0x0  }
0x28: {  	[sflag:s13] =	ssyncadd.s32 $0xFFFFF830  }
0x29: {  	[spmem:s9] =	stream.linear.scatter [tilespmem:s15], [sflag:$0x2], $0x7D0, $0x38;
	[tilespmem:$0x5DC0] =	vst v63  }
0x2a: {  	_ =	swait.ge [sflag:s13], $0x7D0  }
0x2b: {  	[sflag:s13] =	ssyncset.done $0x0  }
0x2c: {  	[sflag:s13] =	ssyncadd.s32 $0xFFFFF830  }
0x2d: {  	[spmem:s10] =	stream.linear.scatter [tilespmem:s15], [sflag:$0x2], $0x7D0, $0x38;
	[tilespmem:$0x5DC0] =	vst v63  }
0x2e: {  	_ =	swait.ge [sflag:s13], $0x7D0  }
0x2f: {  	[sflag:s13] =	ssyncset.done $0x0  }
0x30: {  	s20 =	simm.s32 $0x1A0;
	[sflag:s13] =	ssyncadd.s32 $0xFFFFF830  }
0x31: {  	s22 =	simm.s32 $0x0;
	s21 =	simm.s32 $0x64;
	[bflag:$0x0] =	sbarrier.arrive $0xFFFF  }
.LBB2_4:
0x32: {  	[spmem:s2] =	stream.indirect.scatter.add.f32 [tilespmem:s14], [sflag:$0x1], $0x10, s22, s21, $0xb8;
	[tilespmem:$0x5DC0] =	vst v63  }
0x33: {  	s22 =	smov.u32 s20;
	p0 =	sne.s32 s20, $0xA0E0  }
.Ltmp1:
0x34: {  	s20 =	sadd.s32 $0x1A0, s20;
	(pc) =	sbr.rel @p0 .LBB2_4-.Ltmp1, $2  }
0x35: {  	_ =	sdelay $0x2  }
0x36: {  	s22 =	sshra.s32 s22, $0x2  }
0x37: {  	[spmem:s2] =	stream.indirect.scatter.add.f32 [tilespmem:s14], [sflag:$0x1], $0x10, s22, s21, $0xb8;
	[tilespmem:$0x5DC0] =	vst v63  }
0x38: {  	_ =	swait.ge [sflag:s16], $0x640  }
0x39: {  	s20 =	simm.s32 $0x63;
	[sflag:s16] =	ssyncset.done $0x0  }
.LBB2_6:
0x3a: {  	p0 =	sne.s32 s20, $0x1;
	s20 =	sadd.s32 $0xFFFFFFFF, s20;
	[sflag:s16] =	ssyncadd.s32 $0xFFFFF9C0  }
.Ltmp2:
0x3b: {  	(pc) =	sbr.rel @p0 .LBB2_6-.Ltmp2, $3  }
0x3c: {  	_ =	sdelay $0x1  }
0x3d: {  	_ =	swait.ge [sflag:s16], $0x640  }
0x3e: {  	[sflag:s16] =	ssyncset.done $0x0  }
0x3f: {  	s19 =	sadd.s32 $0x1, s19  }
0x40: {  	[sflag:s16] =	ssyncadd.s32 $0xFFFFF9C0;
	p0 =	sne.s32 s19, s12  }
.Ltmp3:
0x41: {  	[bflag:$0x0] =	sbarrier.arrive $0xFFFF;
	(pc) =	sbr.rel @p0 .LBB2_1-.Ltmp3, $4  }
0x42: {  	[hbm:s11], [sflag:s17] =	dma.local [spmem:s18], $0x4E2  }
0x43: {  	_ =	swait.ge [sflag:s13], $0x4E2  }
0x44: {  	[sflag:s13] =	ssyncset.done $0x0  }
0x45: {  	[sflag:s13] =	ssyncadd.s32 $0xFFFFFB1E  }
0x46: {  	_ =	sfence.sel $0x180000  }
0x47: {  	[bflag:$0x0] =	sbarrier.arrive $0xFFFF  }
0x48: {  	p0 =	sne.s32 s0, $0x0;
	_ =	strace $0x90000047  }
0x49: {  	s0 =	sadd.s32 @!p0 $0x100000, s1;
	[bflag:$0x2] =	sbarrier.arrive $0xFFFF  }
0x4a: {  	[sflag:s0] =	ssyncadd.tile.s32 @!p0 $0x1;
	_ =	shalt  }
.Lfunc_end2:
_tile_overlayer_lowered:
.L_overlay_start_2:
0x4b: {  	(tag) =	ssettag $0x2  }
0x4c: {  	s0 =	rddreg [dreg:$0x0];
	s2 =	stileid.u32  }
0x4d: {  	s1 =	rddreg [dreg:$0x1];
	p0 =	sne.s32 s2, $0x0  }
0x4e: {  	s3 =	rddreg [dreg:$0x2];
	[bflag:$0x3] =	sbarrier.arrive $0xFFFF;
	s2 =	simm.s32 @!p0 $0x1C02  }
0x4f: {  	[timem:s3], [sflag:s2] =	dma.local @!p0 [hbm:s0], s1  }
0x50: {  	s0 =	simm.s32 @!p0 $0x2  }
0x51: {  	_ =	swait.ge @!p0 [sflag:s0], s1  }
0x52: {  	s1 =	ssub.s32 @!p0 $0x0, s1;
	[sflag:s0] =	ssyncset.done @!p0 $0x0  }
0x53: {  	[sflag:s0] =	ssyncadd.s32 @!p0 s1  }
0x54: {  	[bflag:$0x3] =	sbarrier.arrive $0xFFFF  }
0x55: {  	_ =	shalt  }

// kernel: kernel.13.cloned.1.call-start
scs
__scs_entry_jumppad:
0x0: {  	(pc) =	sbr.rel $0x88, $3  }
0x1: {  	(tag) =	ssettag $0x0;
	lr =	simm.s32 $0x1  }
0x2: {  	[smem:$0x3F97] =	sst lr;
	_ =	strace $0xD0000000  }
0x3: {  	_ = 	snop  }
0x4: {  	_ = 	snop  }
0x5: {  	_ = 	snop  }
0x6: {  	_ = 	snop  }
0x7: {  	_ = 	snop  }
__scs_overlays_trampoline_lowered:
0x8: {  	[smem:$0x3FA6] =	sst s0  }
0x9: {  	[smem:$0x3FA7] =	sst s1  }
0xa: {  	[smem:$0x3FA8] =	sst s2  }
0xb: {  	[smem:$0x3FA9] =	sst s3  }
0xc: {  	[smem:$0x3FAA] =	sst s4  }
0xd: {  	[smem:$0x3FAB] =	sst s5  }
0xe: {  	[smem:$0x3FAC] =	sst s6  }
0xf: {  	[smem:$0x3FAD] =	sst s7  }
0x10: {  	[smem:$0x3FAE] =	sst s8  }
0x11: {  	[smem:$0x3FAF] =	sst s9;
	s0 =	simm.s32 @!p0 $0x0  }
0x12: {  	s1 =	sld [smem:$0x3F95];
	s0 =	simm.s32 @p0 $0x1  }
0x13: {  	[smem:$0x3FB0] =	sst s0;
	s0 =	simm.s32 @!p1 $0x0  }
0x14: {  	s2 =	sld [smem:$0x3F94];
	s0 =	simm.s32 @p1 $0x1  }
0x15: {  	[smem:$0x3FB1] =	sst s0;
	s0 =	simm.s32 @!p2 $0x0  }
0x16: {  	s3 =	sld [smem:$0x3FDB];
	s0 =	simm.s32 @p2 $0x1  }
0x17: {  	s4 =	simm.s32 $0x1BF5;
	[smem:$0x3FB3] =	sst s0  }
0x18: {  	s0 =	sld [smem:$0x3F96];
	_ =	swait.ge [sflag:s4], $0x0  }
0x19: {  	s7 =	sld [smem:$0x3F97]  }
0x1a: {  	s8 =	sadd.s32 $0xFFFFE003, lr  }
0x1b: {  	s9 =	sadd.s32 $0xFFFFFEF7, lr;
	s5 =	simm.s32 $0xFFFFFFFF;
	p2 =	slt.u32 s8, $0xFFFFF086  }
0x1c: {  	p1 =	slt.u32 s9, $0xF7A;
	s5 =	simm.s32 @!p2 $0x0  }
0x1d: {  	s5 =	simm.s32 @p1 $0x1;
	p0 =	seq.s32 s7, s2  }
0x1e: {  	s7 =	smul.u32 @!p0 $0xF7A, s2;
	p2 =	seq.s32 @!p0 s5, $0x0  }
0x1f: {  	s9 =	smul.u32 $0xF7A, s1;
	s8 =	simm.s32 @!p0 $0x1BF5;
	p2 =	por !p2, p0  }
0x20: {  	[sflag:s8] =	ssyncset.s32 @!p0 $0xFFFFF086;
	s6 =	sadd.s32 @!p0 s3, s7;
	s7 =	simm.s32 @!p0 $0x108  }
0x21: {  	s3 =	sadd.s32 s3, s9;
	s6 =	sadd.s32 @!p0 $0x88, s6;
	s7 =	simm.s32 @p2 $0x1082  }
0x22: {  	[simem:s7], [sflag:s8] =	dma.local @!p0 [hbm:s6], $0xF7A  }
0x23: {  	s9 =	sor.u32 $0xD0000000, s2;
	s6 =	simm.s32 $0x108;
	_ =	swait.ge @!p0 [sflag:s8], $0x0  }
0x24: {  	s3 =	sadd.s32 $0x88, s3;
	s6 =	simm.s32 @!p1 $0x1082;
	[sflag:s4] =	ssyncset.s32 $0xFFFFF086  }
0x25: {  	[simem:s6], [sflag:s4] =	dma.local [hbm:s3], $0xF7A  }
0x26: {  	[smem:$0x3F97] =	sst s1;
	(tag) =	ssettag s2;
	_ =	strace s9  }
0x27: {  	s1 =	sld [smem:$0x3FA7]  }
0x28: {  	s2 =	sld [smem:$0x3FA8]  }
0x29: {  	s4 =	sld [smem:$0x3FAA]  }
0x2a: {  	p0 =	seq.s32 s5, $0x0;
	s5 =	sld [smem:$0x3FAB]  }
0x2b: {  	s6 =	sld [smem:$0x3FAC]  }
0x2c: {  	s7 =	sld [smem:$0x3FAD]  }
0x2d: {  	s3 =	simm.s32 $0x108;
	s8 =	sld [smem:$0x3FAE]  }
0x2e: {  	s3 =	simm.s32 @!p0 $0x1082;
	s9 =	sld [smem:$0x3FAF]  }
0x2f: {  	lr =	sadd.s32 s0, s3;
	s0 =	sld [smem:$0x3FA6]  }
0x30: {  	s3 =	sld [smem:$0x3FA9]  }
0x31: {  	[smem:$0x3FB2] =	sst s10  }
0x32: {  	s10 =	sld [smem:$0x3FB0];
	_ =	sdelay $0x3  }
0x33: {  	p0 =	seq.s32 s10, $0x1;
	s10 =	sld [smem:$0x3FB2];
	_ =	sdelay $0x3  }
0x34: {  	[smem:$0x3FB2] =	sst s10  }
0x35: {  	s10 =	sld [smem:$0x3FB1];
	_ =	sdelay $0x3  }
0x36: {  	p1 =	seq.s32 s10, $0x1;
	s10 =	sld [smem:$0x3FB2];
	_ =	sdelay $0x3  }
0x37: {  	[smem:$0x3FB2] =	sst s10  }
0x38: {  	s10 =	sld [smem:$0x3FB3]  }
0x39: {  	_ = 	snop;
	(pc) =	sbr.ind lr, $3  }
0x3a: {  	_ = 	snop  }
0x3b: {  	_ = 	snop  }
0x3c: {  	p2 =	seq.s32 s10, $0x1;
	s10 =	sld [smem:$0x3FB2]  }
0x3d: {  	_ =	shalt  }
0x3e: {  	_ =	shalt  }
0x3f: {  	_ =	shalt  }
0x40: {  	_ =	shalt  }
0x41: {  	_ =	shalt  }
0x42: {  	_ =	shalt  }
0x43: {  	_ =	shalt  }
0x44: {  	_ =	shalt  }
0x45: {  	_ =	shalt  }
0x46: {  	_ =	shalt  }
0x47: {  	_ =	shalt  }
0x48: {  	_ =	shalt  }
0x49: {  	_ =	shalt  }
0x4a: {  	_ =	shalt  }
0x4b: {  	_ =	shalt  }
0x4c: {  	_ =	shalt  }
0x4d: {  	_ =	shalt  }
0x4e: {  	_ =	shalt  }
0x4f: {  	_ =	shalt  }
0x50: {  	_ =	shalt  }
0x51: {  	_ =	shalt  }
0x52: {  	_ =	shalt  }
0x53: {  	_ =	shalt  }
0x54: {  	_ =	shalt  }
0x55: {  	_ =	shalt  }
0x56: {  	_ =	shalt  }
0x57: {  	_ =	shalt  }
0x58: {  	_ =	shalt  }
0x59: {  	_ =	shalt  }
0x5a: {  	_ =	shalt  }
0x5b: {  	_ =	shalt  }
0x5c: {  	_ =	shalt  }
0x5d: {  	_ =	shalt  }
0x5e: {  	_ =	shalt  }
0x5f: {  	_ =	shalt  }
0x60: {  	_ =	shalt  }
0x61: {  	_ =	shalt  }
0x62: {  	_ =	shalt  }
0x63: {  	_ =	shalt  }
0x64: {  	_ =	shalt  }
0x65: {  	_ =	shalt  }
0x66: {  	_ =	shalt  }
0x67: {  	_ =	shalt  }
0x68: {  	_ =	shalt  }
0x69: {  	_ =	shalt  }
0x6a: {  	_ =	shalt  }
0x6b: {  	_ =	shalt  }
0x6c: {  	_ =	shalt  }
0x6d: {  	_ =	shalt  }
0x6e: {  	_ =	shalt  }
0x6f: {  	_ =	shalt  }
0x70: {  	_ =	shalt  }
0x71: {  	_ =	shalt  }
0x72: {  	_ =	shalt  }
0x73: {  	_ =	shalt  }
0x74: {  	_ =	shalt  }
0x75: {  	_ =	shalt  }
0x76: {  	_ =	shalt  }
0x77: {  	_ =	shalt  }
0x78: {  	_ =	shalt  }
0x79: {  	_ =	shalt  }
0x7a: {  	_ =	shalt  }
0x7b: {  	_ =	shalt  }
0x7c: {  	_ =	shalt  }
0x7d: {  	_ =	shalt  }
0x7e: {  	_ =	shalt  }
0x7f: {  	_ =	shalt  }
0x80: {  	_ =	shalt  }
0x81: {  	_ =	shalt  }
0x82: {  	_ =	shalt  }
0x83: {  	_ =	shalt  }
0x84: {  	_ =	shalt  }
0x85: {  	_ =	shalt  }
0x86: {  	_ =	shalt  }
0x87: {  	_ =	shalt  }
.Lfunc_end0:
.L_simem_size_0:
called_computation.1_lowered:
.L_overlay_start_0:
0x88: {  	s2 =	sld [smem:$0x3FD9]  }
0x89: {  	s3 =	sld [smem:$0x3FFE];
	_ =	sdelay $0x1  }
0x8a: {  	s1 =	srdreg.scid  }
0x8b: {  	s0 =	sand.u32 $0x1, s1  }
0x8c: {  	s17 =	sshll.u32 s0, $0xA;
	s2 =	sadd.s32 s3, s2  }
0x8d: {  	s2 =	sadd.s32 s2, s17  }
0x8e: {  	[smem:$0x3FBE] =	sst s2  }
0x8f: {  	_ = 	snop  }
0x90: {  	s2 =	sld [smem:$0x3FD0];
	(tm) =	ssettm $0x1  }
0x91: {  	s18 =	sld [smem:$0x3FFB];
	_ =	sdelay $0x3  }
0x92: {  	_ =	strace s18  }
0x93: {  	s3 =	sld [smem:$0x3FFC];
	_ =	sdelay $0x3  }
0x94: {  	_ =	strace s3  }
0x95: {  	s3 =	sld [smem:$0x3FFD];
	_ =	sdelay $0x3  }
0x96: {  	_ =	strace s3  }
0x97: {  	_ =	strace $0x8FFFFFFF  }
0x98: {  	s19 =	sld [smem:$0x3FDB];
	_ =	sdelay $0x1  }
0x99: {  	s4 =	simm.s32 $_scs_section_size  }
0x9a: {  	s5 =	simm.s32 $_size__tile_overlayer_lowered;
	s6 =	simm.s32 $_tile_overlayer_lowered  }
0x9b: {  	s22 =	simm.s32 $0x1BFF;
	s21 =	sshll.u32 s6, $0x1;
	s3 =	sadd.s32 s4, s19  }
0x9c: {  	s7 =	simm.s32 $0x0;
	s20 =	sshll.u32 s5, $0x1;
	s5 =	sadd.s32 s21, s3  }
0x9d: {  	[timem:s7], [sflag:s22] =	dma.local [hbm:s5], s20  }
0x9e: {  	_ =	swait.ge [sflag:s22], s20  }
0x9f: {  	s4 =	ssub.s32 $0x0, s20;
	[sflag:s22] =	ssyncset.done $0x0  }
0xa0: {  	[sflag:s22] =	ssyncadd.s32 s4;
	_ =	sdelay $0x1  }
0xa1: {  	s23 =	simm.s32 $0x1B8B  }
0xa2: {  	_ =	swait.ge [sflag:s23], $0x1  }
0xa3: {  	[sflag:s23] =	ssyncset.done $0x0  }
0xa4: {  	s25 =	simm.s32 $0x1B8E;
	s24 =	sld [smem:$0x3FFE];
	[sflag:s23] =	ssyncadd.s32 $0xFFFFFFFF  }
0xa5: {  	s26 =	simm.s32 $execute0_lowered;
	[smem:$0x3FD2] =	sst s25  }
0xa6: {  	s5 =	sshll.u32 s26, $0x1;
	_ =	strace $0x80000049;
	[dreg:$0x1] =	wrdreg $0xFFFFFFFF  }
0xa7: {  	s28 =	simm.s32 $_size_execute0_lowered;
	s3 =	sadd.s32 s3, s5;
	[dreg:$0x0] =	wrdreg $0x0  }
0xa8: {  	s5 =	sshll.u32 s28, $0x1;
	[dreg:$0x2] =	wrdreg s3  }
0xa9: {  	[dreg:$0x3] =	wrdreg s5  }
0xaa: {  	[dreg:$0x4] =	wrdreg $0xC0  }
0xab: {  	_ =	task [dreg:s7], $0x5FFFF  }
0xac: {  	[dreg:$0x1] =	wrdreg $0xFFFFFFFF  }
0xad: {  	[dreg:$0x0] =	wrdreg $0x60  }
0xae: {  	[dreg:$0x2] =	wrdreg s24  }
0xaf: {  	[dreg:$0x3] =	wrdreg s2  }
0xb0: {  	[dreg:$0x4] =	wrdreg $0xB5400  }
0xb1: {  	[dreg:$0x5] =	wrdreg $0x9  }
0xb2: {  	_ =	task.clear_ibuf [dreg:s7], $0x6FFFF;
	_ =	strace $0x90000049  }
0xb3: {  	s29 =	simm.s32 $0x9;
	_ =	strace $0x8000004B  }
0xb4: {  	_ =	swait.ge [sflag:s29], $0x1  }
0xb5: {  	[sflag:s29] =	ssyncadd.s32 $0xFFFFFFFF  }
0xb6: {  	_ =	strace $0x9000004B  }
0xb7: {  	_ =	sfence  }
0xb8: {  	s30 =	sld [smem:$0x0];
	_ =	sdelay $0x2  }
0xb9: {  	s31 =	sshll.u32 s1, $0xD;
	s1 =	sshrl.u32 s1, $0x2  }
0xba: {  	s3 =	sand.u32 $0x4000, s31;
	s1 =	sadd.s32 s1, s30  }
0xbb: {  	s0 =	sor.u32 s3, s0;
	s1 =	sshll.u32 s1, $0x11  }
0xbc: {  	s0 =	sor.u32 s1, s0  }
0xbd: {  	s0 =	sadd.s32 $0x8F2B, s0  }
0xbe: {  	[sflag:s0] =	ssyncadd.remote.s32 $0x1  }
0xbf: {  	_ =	sfence.sel $0xFFFF  }
0xc0: {  	[dreg:$0x0] =	wrdreg $0xFFFFFFFF;
	(pc) =	sbr.abs _section_cstart, $3  }
0xc1: {  	[dreg:$0x1] =	wrdreg $0xFFFFFFFF  }
0xc2: {  	_ =	task.clear_ibuf [dreg:s7], $0x2FFFF;
	_ =	strace $0x9FFFFFFF  }
0xc3: {  	(tm) =	ssettm $0x7FFFFFFF  }
tec
execute0_lowered:
.L_overlay_start_1:
0x0: {  	(tag) =	ssettag $0x1  }
0x1: {  	s5 =	rddreg [dreg:$0x0]  }
0x2: {  	s2 =	rddreg [dreg:$0x1]  }
0x3: {  	s3 =	rddreg [dreg:$0x2]  }
0x4: {  	s0 =	rddreg [dreg:$0x3];
	s4 =	srdreg.scid  }
0x5: {  	s1 =	stileid.u32;
	s16 =	simm.s32 $0x3;
	s17 =	simm.s32 $0x28A0  }
0x6: {  	s18 =	simm.s32 $0x5140;
	s19 =	simm.s32 $0x64;
	s20 =	simm.s32 $0x68  }
0x7: {  	s21 =	simm.s32 $0x8340;
	s22 =	simm.s32 $0x1;
	s23 =	simm.s32 $0x2  }
0x8: {  	s24 =	simm.s32 $0x5070;
	s25 =	simm.s32 $0x50D8;
	s26 =	simm.s32 $0x0  }
0x9: {  	s6 =	sand.u32 $0x1, s4;
	s7 =	sshll.u32 s1, $0x1;
	s8 =	smul.u32 $0x13880, s1  }
0xa: {  	s4 =	simm.s32 $0x0;
	s10 =	smul.u32 $0x4E200, s1;
	s7 =	sor.u32 s6, s7  }
0xb: {  	s9 =	smul.u32 $0x138800, s6;
	[smem:$0x7FF] =	sst s4;
	s6 =	ssub.s32 $0x2, s6  }
0xc: {  	s7 =	smul.u32 $0x514, s7;
	_ =	strace $0x8000004A;
	s30 =	sshrl.u32 s6, $0x1  }
0xd: {  	s31 =	sshrl.u32 s10, $0x2;
	s9 =	sadd.s32 s8, s9;
	s15 =	ssub.s32 s6, s30  }
0xe: {  	s13 =	sadd.s32 s31, s3;
	s7 =	sadd.s32 s7, s5;
	s9 =	sshrl.u32 s9, $0x3  }
0xf: {  	s10 =	sadd.s32 $0x9600, s13;
	s11 =	sadd.s32 $0xC800, s13;
	s12 =	sadd.s32 $0xFA00, s13  }
0x10: {  	s15 =	smax.u32 s15, $0x1;
	s14 =	sadd.s32 s9, s5;
	s5 =	sadd.s32 $0xDE00, s7  }
0x11: {  	s6 =	sadd.s32 $0x3800, s7;
	s7 =	sadd.s32 s8, s3;
	s8 =	sadd.s32 $0x3200, s13  }
0x12: {  	v0 =	vimm.f32 $0.0e+00;
	s9 =	sadd.s32 $0x6400, s13;
	s13 =	sadd.s32 $0x12C00, s13;
	s14 =	sadd.s32 $0x18200, s14  }
.LBB2_1:
0x13: {  	[tilespmem:s4], [sflag:$0x3] =	stream.linear.gather [hbm4b:s5+s4], $0x28A0, $0x38;
	[tilespmem:$0x1EDC0] =	vst v63  }
0x14: {  	_ =	swait.ge [sflag:s16], $0x28A0  }
0x15: {  	[sflag:s16] =	ssyncset.done $0x0  }
0x16: {  	[sflag:s16] =	ssyncadd.s32 $0xFFFFD760  }
0x17: {  	[tilespmem:s17], [sflag:$0x3] =	stream.linear.gather [hbm4b:s6+s4], $0x28A0, $0x38;
	[tilespmem:$0x1EDC0] =	vst v63  }
0x18: {  	_ =	swait.ge [sflag:s16], $0x28A0  }
0x19: {  	[sflag:s16] =	ssyncset.done $0x0  }
0x1a: {  	s28 =	simm.s32 $0x0;
	s29 =	simm.s32 $0x200;
	[sflag:s16] =	ssyncadd.s32 $0xFFFFD760  }
.LBB2_2:
0x1b: {  	p0 =	sne.s32 s29, $0xC600;
	[tilespmem:s28+$0x51B0] =	vst v0  }
0x1c: {  	[tilespmem:s28+$0x5140] =	vst v0  }
0x1d: {  	[tilespmem:s28+$0x5150] =	vst v0  }
.Ltmp0:
0x1e: {  	[tilespmem:s28+$0x5160] =	vst v0;
	(pc) =	sbr.rel @p0 .LBB2_2-.Ltmp0, $4  }
0x1f: {  	[tilespmem:s28+$0x5170] =	vst v0  }
0x20: {  	[tilespmem:s28+$0x5180] =	vst v0  }
0x21: {  	[tilespmem:s28+$0x5190] =	vst v0  }
0x22: {  	[tilespmem:s28+$0x51A0] =	vst v0;
	s28 =	sshra.s32 s29, $0x2;
	s29 =	sadd.s32 $0x200, s29  }
0x23: {  	[tilespmem:s28+$0x51B0] =	vst v0  }
0x24: {  	[tilespmem:s28+$0x5140] =	vst v0  }
0x25: {  	[tilespmem:s28+$0x5150] =	vst v0  }
0x26: {  	[tilespmem:s28+$0x5160] =	vst v0  }
0x27: {  	[tilespmem:s28+$0x5170] =	vst v0  }
0x28: {  	[tilespmem:s28+$0x5180] =	vst v0  }
0x29: {  	[tilespmem:s28+$0x5190] =	vst v0  }
0x2a: {  	[tilespmem:s28+$0x51A0] =	vst v0  }
0x2b: {  	[spmem:s7] =	stream.linear.scatter [tilespmem:s18], [sflag:$0x3], $0x3200, $0x38;
	[tilespmem:$0x1EDC0] =	vst v63  }
0x2c: {  	_ =	swait.ge [sflag:s16], $0x3200  }
0x2d: {  	[sflag:s16] =	ssyncset.done $0x0  }
0x2e: {  	[sflag:s16] =	ssyncadd.s32 $0xFFFFCE00  }
0x2f: {  	[spmem:s8] =	stream.linear.scatter [tilespmem:s18], [sflag:$0x3], $0x3200, $0x38;
	[tilespmem:$0x1EDC0] =	vst v63  }
0x30: {  	_ =	swait.ge [sflag:s16], $0x3200  }
0x31: {  	[sflag:s16] =	ssyncset.done $0x0  }
0x32: {  	[sflag:s16] =	ssyncadd.s32 $0xFFFFCE00  }
0x33: {  	[spmem:s9] =	stream.linear.scatter [tilespmem:s18], [sflag:$0x3], $0x3200, $0x38;
	[tilespmem:$0x1EDC0] =	vst v63  }
0x34: {  	_ =	swait.ge [sflag:s16], $0x3200  }
0x35: {  	[sflag:s16] =	ssyncset.done $0x0  }
0x36: {  	[sflag:s16] =	ssyncadd.s32 $0xFFFFCE00  }
0x37: {  	[spmem:s10] =	stream.linear.scatter [tilespmem:s18], [sflag:$0x3], $0x3200, $0x38;
	[tilespmem:$0x1EDC0] =	vst v63  }
0x38: {  	_ =	swait.ge [sflag:s16], $0x3200  }
0x39: {  	[sflag:s16] =	ssyncset.done $0x0  }
0x3a: {  	[sflag:s16] =	ssyncadd.s32 $0xFFFFCE00  }
0x3b: {  	[spmem:s11] =	stream.linear.scatter [tilespmem:s18], [sflag:$0x3], $0x3200, $0x38;
	[tilespmem:$0x1EDC0] =	vst v63  }
0x3c: {  	_ =	swait.ge [sflag:s16], $0x3200  }
0x3d: {  	[sflag:s16] =	ssyncset.done $0x0  }
0x3e: {  	[sflag:s16] =	ssyncadd.s32 $0xFFFFCE00  }
0x3f: {  	[spmem:s12] =	stream.linear.scatter [tilespmem:s18], [sflag:$0x3], $0x3200, $0x38;
	[tilespmem:$0x1EDC0] =	vst v63  }
0x40: {  	_ =	swait.ge [sflag:s16], $0x3200  }
0x41: {  	[sflag:s16] =	ssyncset.done $0x0  }
0x42: {  	[sflag:s16] =	ssyncadd.s32 $0xFFFFCE00  }
0x43: {  	[spmem:s13] =	stream.linear.scatter [tilespmem:s18], [sflag:$0x3], $0xC80, $0x38;
	[tilespmem:$0x1EDC0] =	vst v63  }
0x44: {  	_ =	swait.ge [sflag:s16], $0xC80  }
0x45: {  	[sflag:s16] =	ssyncset.done $0x0  }
0x46: {  	s28 =	simm.s32 $0x0;
	[sflag:s16] =	ssyncadd.s32 $0xFFFFF380  }
0x47: {  	[tilespmem:s18], [sflag:$0x1] =	stream.indirect.gather [hbm4b:s2+s19], $0x80, s28, s19, $0xb8;
	[tilespmem:$0x1EDC0] =	vst v63  }
0x48: {  	_ = 	snop  }
0x49: {  	[tilespmem:s21], [sflag:$0x2] =	stream.indirect.gather [hbm4b:s2+s19], $0x80, s20, s19, $0xb8;
	[tilespmem:$0x1EDC0] =	vst v63  }
0x4a: {  	[bflag:$0x0] =	sbarrier.arrive $0xFFFF  }
0x4b: {  	_ =	swait.ge [sflag:s22], $0x3200  }
0x4c: {  	[sflag:s22] =	ssyncset.done $0x0  }
0x4d: {  	s28 =	simm.s32 $0x28A0;
	[sflag:s22] =	ssyncadd.s32 $0xFFFFCE00  }
0x4e: {  	[spmem:s3] =	stream.indirect.scatter.add.f32 [tilespmem:s18], [sflag:$0x3], $0x80, s28, s19, $0xb8;
	[tilespmem:$0x1EDC0] =	vst v63  }
0x4f: {  	_ =	swait.ge [sflag:s16], $0x3200  }
0x50: {  	[sflag:s16] =	ssyncset.done $0x0  }
0x51: {  	s28 =	simm.s32 $0xD0;
	[sflag:s16] =	ssyncadd.s32 $0xFFFFCE00  }
0x52: {  	[tilespmem:s18], [sflag:$0x1] =	stream.indirect.gather [hbm4b:s2+s19], $0x80, s28, s19, $0xb8;
	[tilespmem:$0x1EDC0] =	vst v63  }
0x53: {  	_ =	swait.ge [sflag:s23], $0x3200  }
0x54: {  	[sflag:s23] =	ssyncset.done $0x0  }
0x55: {  	s28 =	simm.s32 $0x2908;
	[sflag:s23] =	ssyncadd.s32 $0xFFFFCE00  }
0x56: {  	[spmem:s3] =	stream.indirect.scatter.add.f32 [tilespmem:s21], [sflag:$0x3], $0x80, s28, s19, $0xb8;
	[tilespmem:$0x1EDC0] =	vst v63  }
0x57: {  	_ =	swait.ge [sflag:s16], $0x3200  }
0x58: {  	[sflag:s16] =	ssyncset.done $0x0  }
0x59: {  	s29 =	simm.s32 $0x138;
	s28 =	simm.s32 $0x340;
	[sflag:s16] =	ssyncadd.s32 $0xFFFFCE00  }
.LBB2_4:
0x5a: {  	[tilespmem:s21], [sflag:$0x2] =	stream.indirect.gather [hbm4b:s2+s19], $0x80, s29, s19, $0xb8;
	[tilespmem:$0x1EDC0] =	vst v63  }
0x5b: {  	s29 =	smov.u32 s28  }
0x5c: {  	p0 =	sne.s32 s28, $0x9C00;
	s28 =	sadd.s32 $0x340, s28;
	_ =	swait.ge [sflag:s22], $0x3200  }
0x5d: {  	s29 =	sshra.s32 s29, $0x2;
	[sflag:s22] =	ssyncset.done $0x0  }
0x5e: {  	s30 =	sadd.s32 $0x28A0, s29;
	[sflag:s22] =	ssyncadd.s32 $0xFFFFCE00  }
0x5f: {  	[spmem:s3] =	stream.indirect.scatter.add.f32 [tilespmem:s18], [sflag:$0x3], $0x80, s30, s19, $0xb8;
	[tilespmem:$0x1EDC0] =	vst v63  }
0x60: {  	_ =	swait.ge [sflag:s16], $0x3200  }
0x61: {  	[sflag:s16] =	ssyncset.done $0x0  }
0x62: {  	s30 =	sadd.s32 $0xD0, s29;
	[sflag:s16] =	ssyncadd.s32 $0xFFFFCE00  }
0x63: {  	[tilespmem:s18], [sflag:$0x1] =	stream.indirect.gather [hbm4b:s2+s19], $0x80, s30, s19, $0xb8;
	[tilespmem:$0x1EDC0] =	vst v63  }
0x64: {  	_ =	swait.ge [sflag:s23], $0x3200  }
0x65: {  	[sflag:s23] =	ssyncset.done $0x0  }
.Ltmp1:
0x66: {  	s30 =	sadd.s32 $0x2908, s29;
	[sflag:s23] =	ssyncadd.s32 $0xFFFFCE00;
	(pc) =	sbr.rel @p0 .LBB2_4-.Ltmp1, $4  }
0x67: {  	[spmem:s3] =	stream.indirect.scatter.add.f32 [tilespmem:s21], [sflag:$0x3], $0x80, s30, s19, $0xb8;
	[tilespmem:$0x1EDC0] =	vst v63  }
0x68: {  	_ =	swait.ge [sflag:s16], $0x3200  }
0x69: {  	[sflag:s16] =	ssyncset.done $0x0  }
0x6a: {  	s29 =	sadd.s32 $0x138, s29;
	[sflag:s16] =	ssyncadd.s32 $0xFFFFCE00  }
0x6b: {  	[tilespmem:s21], [sflag:$0x2] =	stream.indirect.gather [hbm4b:s2+s19], $0x80, s29, s19, $0xb8;
	[tilespmem:$0x1EDC0] =	vst v63  }
0x6c: {  	_ =	swait.ge [sflag:s22], $0x3200  }
0x6d: {  	[sflag:s22] =	ssyncset.done $0x0  }
0x6e: {  	[sflag:s22] =	ssyncadd.s32 $0xFFFFCE00  }
0x6f: {  	[spmem:s3] =	stream.indirect.scatter.add.f32 [tilespmem:s18], [sflag:$0x3], $0x80, s24, s19, $0xb8;
	[tilespmem:$0x1EDC0] =	vst v63  }
0x70: {  	_ =	swait.ge [sflag:s16], $0x3200  }
0x71: {  	[sflag:s16] =	ssyncset.done $0x0  }
0x72: {  	[sflag:s16] =	ssyncadd.s32 $0xFFFFCE00  }
0x73: {  	_ =	swait.ge [sflag:s23], $0x3200  }
0x74: {  	[sflag:s23] =	ssyncset.done $0x0  }
0x75: {  	[sflag:s23] =	ssyncadd.s32 $0xFFFFCE00  }
0x76: {  	[spmem:s3] =	stream.indirect.scatter.add.f32 [tilespmem:s21], [sflag:$0x3], $0x80, s25, s19, $0xb8;
	[tilespmem:$0x1EDC0] =	vst v63  }
0x77: {  	_ =	swait.ge [sflag:s16], $0x3200  }
0x78: {  	s28 =	sshll.u32 s1, $0x6;
	s26 =	sadd.s32 $0x1, s26;
	[sflag:s16] =	ssyncset.done $0x0  }
0x79: {  	s31 =	sshrl.u32 s7, $0x3;
	p0 =	sne.s32 s26, s15;
	[sflag:s16] =	ssyncadd.s32 $0xFFFFCE00  }
.Ltmp2:
0x7a: {  	s28 =	sor.u32 $0x1C03, s28;
	[bflag:$0x0] =	sbarrier.arrive $0xFFFF;
	(pc) =	sbr.rel @p0 .LBB2_1-.Ltmp2, $4  }
0x7b: {  	[hbm:s14], [sflag:s28] =	dma.local [spmem:s31], $0x2710  }
0x7c: {  	_ =	swait.ge [sflag:s16], $0x2710  }
0x7d: {  	[sflag:s16] =	ssyncset.done $0x0  }
0x7e: {  	[sflag:s16] =	ssyncadd.s32 $0xFFFFD8F0  }
0x7f: {  	_ =	sfence.sel $0x180000  }
0x80: {  	[bflag:$0x0] =	sbarrier.arrive $0xFFFF  }
0x81: {  	p0 =	sne.s32 s1, $0x0;
	_ =	strace $0x9000004A  }
0x82: {  	s0 =	sadd.s32 @!p0 $0x100000, s0;
	[bflag:$0x2] =	sbarrier.arrive $0xFFFF  }
0x83: {  	[sflag:s0] =	ssyncadd.tile.s32 @!p0 $0x1;
	_ =	shalt  }
.Lfunc_end2:
_tile_overlayer_lowered:
.L_overlay_start_2:
0x84: {  	(tag) =	ssettag $0x2  }
0x85: {  	s0 =	rddreg [dreg:$0x0];
	s2 =	stileid.u32  }
0x86: {  	s1 =	rddreg [dreg:$0x1];
	p0 =	sne.s32 s2, $0x0  }
0x87: {  	s3 =	rddreg [dreg:$0x2];
	[bflag:$0x3] =	sbarrier.arrive $0xFFFF;
	s2 =	simm.s32 @!p0 $0x1C03  }
0x88: {  	[timem:s3], [sflag:s2] =	dma.local @!p0 [hbm:s0], s1  }
0x89: {  	s0 =	simm.s32 @!p0 $0x3  }
0x8a: {  	_ =	swait.ge @!p0 [sflag:s0], s1  }
0x8b: {  	s1 =	ssub.s32 @!p0 $0x0, s1;
	[sflag:s0] =	ssyncset.done @!p0 $0x0  }
0x8c: {  	[sflag:s0] =	ssyncadd.s32 @!p0 s1  }
0x8d: {  	[bflag:$0x3] =	sbarrier.arrive $0xFFFF  }
0x8e: {  	_ =	shalt  }

// kernel: kernel.16.cloned.1.call-start
scs
__scs_entry_jumppad:
0x0: {  	(pc) =	sbr.rel $0x88, $3  }
0x1: {  	(tag) =	ssettag $0x0;
	lr =	simm.s32 $0x1  }
0x2: {  	[smem:$0x3F97] =	sst lr;
	_ =	strace $0xD0000000  }
0x3: {  	_ = 	snop  }
0x4: {  	_ = 	snop  }
0x5: {  	_ = 	snop  }
0x6: {  	_ = 	snop  }
0x7: {  	_ = 	snop  }
__scs_overlays_trampoline_lowered:
0x8: {  	[smem:$0x3FA6] =	sst s0  }
0x9: {  	[smem:$0x3FA7] =	sst s1  }
0xa: {  	[smem:$0x3FA8] =	sst s2  }
0xb: {  	[smem:$0x3FA9] =	sst s3  }
0xc: {  	[smem:$0x3FAA] =	sst s4  }
0xd: {  	[smem:$0x3FAB] =	sst s5  }
0xe: {  	[smem:$0x3FAC] =	sst s6  }
0xf: {  	[smem:$0x3FAD] =	sst s7  }
0x10: {  	[smem:$0x3FAE] =	sst s8  }
0x11: {  	[smem:$0x3FAF] =	sst s9;
	s0 =	simm.s32 @!p0 $0x0  }
0x12: {  	s1 =	sld [smem:$0x3F95];
	s0 =	simm.s32 @p0 $0x1  }
0x13: {  	[smem:$0x3FB0] =	sst s0;
	s0 =	simm.s32 @!p1 $0x0  }
0x14: {  	s2 =	sld [smem:$0x3F94];
	s0 =	simm.s32 @p1 $0x1  }
0x15: {  	[smem:$0x3FB1] =	sst s0;
	s0 =	simm.s32 @!p2 $0x0  }
0x16: {  	s3 =	sld [smem:$0x3FDB];
	s0 =	simm.s32 @p2 $0x1  }
0x17: {  	s4 =	simm.s32 $0x1BF5;
	[smem:$0x3FB3] =	sst s0  }
0x18: {  	s0 =	sld [smem:$0x3F96];
	_ =	swait.ge [sflag:s4], $0x0  }
0x19: {  	s7 =	sld [smem:$0x3F97]  }
0x1a: {  	s8 =	sadd.s32 $0xFFFFE003, lr  }
0x1b: {  	s9 =	sadd.s32 $0xFFFFFEF7, lr;
	s5 =	simm.s32 $0xFFFFFFFF;
	p2 =	slt.u32 s8, $0xFFFFF086  }
0x1c: {  	p1 =	slt.u32 s9, $0xF7A;
	s5 =	simm.s32 @!p2 $0x0  }
0x1d: {  	s5 =	simm.s32 @p1 $0x1;
	p0 =	seq.s32 s7, s2  }
0x1e: {  	s7 =	smul.u32 @!p0 $0xF7A, s2;
	p2 =	seq.s32 @!p0 s5, $0x0  }
0x1f: {  	s9 =	smul.u32 $0xF7A, s1;
	s8 =	simm.s32 @!p0 $0x1BF5;
	p2 =	por !p2, p0  }
0x20: {  	[sflag:s8] =	ssyncset.s32 @!p0 $0xFFFFF086;
	s6 =	sadd.s32 @!p0 s3, s7;
	s7 =	simm.s32 @!p0 $0x108  }
0x21: {  	s3 =	sadd.s32 s3, s9;
	s6 =	sadd.s32 @!p0 $0x88, s6;
	s7 =	simm.s32 @p2 $0x1082  }
0x22: {  	[simem:s7], [sflag:s8] =	dma.local @!p0 [hbm:s6], $0xF7A  }
0x23: {  	s9 =	sor.u32 $0xD0000000, s2;
	s6 =	simm.s32 $0x108;
	_ =	swait.ge @!p0 [sflag:s8], $0x0  }
0x24: {  	s3 =	sadd.s32 $0x88, s3;
	s6 =	simm.s32 @!p1 $0x1082;
	[sflag:s4] =	ssyncset.s32 $0xFFFFF086  }
0x25: {  	[simem:s6], [sflag:s4] =	dma.local [hbm:s3], $0xF7A  }
0x26: {  	[smem:$0x3F97] =	sst s1;
	(tag) =	ssettag s2;
	_ =	strace s9  }
0x27: {  	s1 =	sld [smem:$0x3FA7]  }
0x28: {  	s2 =	sld [smem:$0x3FA8]  }
0x29: {  	s4 =	sld [smem:$0x3FAA]  }
0x2a: {  	p0 =	seq.s32 s5, $0x0;
	s5 =	sld [smem:$0x3FAB]  }
0x2b: {  	s6 =	sld [smem:$0x3FAC]  }
0x2c: {  	s7 =	sld [smem:$0x3FAD]  }
0x2d: {  	s3 =	simm.s32 $0x108;
	s8 =	sld [smem:$0x3FAE]  }
0x2e: {  	s3 =	simm.s32 @!p0 $0x1082;
	s9 =	sld [smem:$0x3FAF]  }
0x2f: {  	lr =	sadd.s32 s0, s3;
	s0 =	sld [smem:$0x3FA6]  }
0x30: {  	s3 =	sld [smem:$0x3FA9]  }
0x31: {  	[smem:$0x3FB2] =	sst s10  }
0x32: {  	s10 =	sld [smem:$0x3FB0];
	_ =	sdelay $0x3  }
0x33: {  	p0 =	seq.s32 s10, $0x1;
	s10 =	sld [smem:$0x3FB2];
	_ =	sdelay $0x3  }
0x34: {  	[smem:$0x3FB2] =	sst s10  }
0x35: {  	s10 =	sld [smem:$0x3FB1];
	_ =	sdelay $0x3  }
0x36: {  	p1 =	seq.s32 s10, $0x1;
	s10 =	sld [smem:$0x3FB2];
	_ =	sdelay $0x3  }
0x37: {  	[smem:$0x3FB2] =	sst s10  }
0x38: {  	s10 =	sld [smem:$0x3FB3]  }
0x39: {  	_ = 	snop;
	(pc) =	sbr.ind lr, $3  }
0x3a: {  	_ = 	snop  }
0x3b: {  	_ = 	snop  }
0x3c: {  	p2 =	seq.s32 s10, $0x1;
	s10 =	sld [smem:$0x3FB2]  }
0x3d: {  	_ =	shalt  }
0x3e: {  	_ =	shalt  }
0x3f: {  	_ =	shalt  }
0x40: {  	_ =	shalt  }
0x41: {  	_ =	shalt  }
0x42: {  	_ =	shalt  }
0x43: {  	_ =	shalt  }
0x44: {  	_ =	shalt  }
0x45: {  	_ =	shalt  }
0x46: {  	_ =	shalt  }
0x47: {  	_ =	shalt  }
0x48: {  	_ =	shalt  }
0x49: {  	_ =	shalt  }
0x4a: {  	_ =	shalt  }
0x4b: {  	_ =	shalt  }
0x4c: {  	_ =	shalt  }
0x4d: {  	_ =	shalt  }
0x4e: {  	_ =	shalt  }
0x4f: {  	_ =	shalt  }
0x50: {  	_ =	shalt  }
0x51: {  	_ =	shalt  }
0x52: {  	_ =	shalt  }
0x53: {  	_ =	shalt  }
0x54: {  	_ =	shalt  }
0x55: {  	_ =	shalt  }
0x56: {  	_ =	shalt  }
0x57: {  	_ =	shalt  }
0x58: {  	_ =	shalt  }
0x59: {  	_ =	shalt  }
0x5a: {  	_ =	shalt  }
0x5b: {  	_ =	shalt  }
0x5c: {  	_ =	shalt  }
0x5d: {  	_ =	shalt  }
0x5e: {  	_ =	shalt  }
0x5f: {  	_ =	shalt  }
0x60: {  	_ =	shalt  }
0x61: {  	_ =	shalt  }
0x62: {  	_ =	shalt  }
0x63: {  	_ =	shalt  }
0x64: {  	_ =	shalt  }
0x65: {  	_ =	shalt  }
0x66: {  	_ =	shalt  }
0x67: {  	_ =	shalt  }
0x68: {  	_ =	shalt  }
0x69: {  	_ =	shalt  }
0x6a: {  	_ =	shalt  }
0x6b: {  	_ =	shalt  }
0x6c: {  	_ =	shalt  }
0x6d: {  	_ =	shalt  }
0x6e: {  	_ =	shalt  }
0x6f: {  	_ =	shalt  }
0x70: {  	_ =	shalt  }
0x71: {  	_ =	shalt  }
0x72: {  	_ =	shalt  }
0x73: {  	_ =	shalt  }
0x74: {  	_ =	shalt  }
0x75: {  	_ =	shalt  }
0x76: {  	_ =	shalt  }
0x77: {  	_ =	shalt  }
0x78: {  	_ =	shalt  }
0x79: {  	_ =	shalt  }
0x7a: {  	_ =	shalt  }
0x7b: {  	_ =	shalt  }
0x7c: {  	_ =	shalt  }
0x7d: {  	_ =	shalt  }
0x7e: {  	_ =	shalt  }
0x7f: {  	_ =	shalt  }
0x80: {  	_ =	shalt  }
0x81: {  	_ =	shalt  }
0x82: {  	_ =	shalt  }
0x83: {  	_ =	shalt  }
0x84: {  	_ =	shalt  }
0x85: {  	_ =	shalt  }
0x86: {  	_ =	shalt  }
0x87: {  	_ =	shalt  }
.Lfunc_end0:
.L_simem_size_0:
called_computation.2_lowered:
.L_overlay_start_0:
0x88: {  	s2 =	sld [smem:$0x3FD9]  }
0x89: {  	s3 =	sld [smem:$0x3FFE];
	_ =	sdelay $0x1  }
0x8a: {  	s1 =	srdreg.scid  }
0x8b: {  	s0 =	sand.u32 $0x1, s1  }
0x8c: {  	s17 =	sshll.u32 s0, $0xA;
	s2 =	sadd.s32 s3, s2  }
0x8d: {  	s2 =	sadd.s32 s2, s17  }
0x8e: {  	[smem:$0x3FBE] =	sst s2  }
0x8f: {  	_ = 	snop  }
0x90: {  	s2 =	sld [smem:$0x3FD0];
	(tm) =	ssettm $0x1  }
0x91: {  	s18 =	sld [smem:$0x3FFB];
	_ =	sdelay $0x3  }
0x92: {  	_ =	strace s18  }
0x93: {  	s3 =	sld [smem:$0x3FFC];
	_ =	sdelay $0x3  }
0x94: {  	_ =	strace s3  }
0x95: {  	s3 =	sld [smem:$0x3FFD];
	_ =	sdelay $0x3  }
0x96: {  	_ =	strace s3  }
0x97: {  	_ =	strace $0x8FFFFFFF  }
0x98: {  	s19 =	sld [smem:$0x3FDB];
	_ =	sdelay $0x1  }
0x99: {  	s4 =	simm.s32 $_scs_section_size  }
0x9a: {  	s5 =	simm.s32 $_size__tile_overlayer_lowered;
	s6 =	simm.s32 $_tile_overlayer_lowered  }
0x9b: {  	s22 =	simm.s32 $0x1BFF;
	s21 =	sshll.u32 s6, $0x1;
	s3 =	sadd.s32 s4, s19  }
0x9c: {  	s7 =	simm.s32 $0x0;
	s20 =	sshll.u32 s5, $0x1;
	s5 =	sadd.s32 s21, s3  }
0x9d: {  	[timem:s7], [sflag:s22] =	dma.local [hbm:s5], s20  }
0x9e: {  	_ =	swait.ge [sflag:s22], s20  }
0x9f: {  	s4 =	ssub.s32 $0x0, s20;
	[sflag:s22] =	ssyncset.done $0x0  }
0xa0: {  	[sflag:s22] =	ssyncadd.s32 s4;
	_ =	sdelay $0x1  }
0xa1: {  	s23 =	simm.s32 $0x1B8B  }
0xa2: {  	_ =	swait.ge [sflag:s23], $0x1  }
0xa3: {  	[sflag:s23] =	ssyncset.done $0x0  }
0xa4: {  	s25 =	simm.s32 $0x1B8E;
	s24 =	sld [smem:$0x3FFE];
	[sflag:s23] =	ssyncadd.s32 $0xFFFFFFFF  }
0xa5: {  	s26 =	simm.s32 $execute0_lowered;
	[smem:$0x3FD2] =	sst s25  }
0xa6: {  	s5 =	sshll.u32 s26, $0x1;
	_ =	strace $0x8000004C;
	[dreg:$0x1] =	wrdreg $0xFFFFFFFF  }
0xa7: {  	s28 =	simm.s32 $_size_execute0_lowered;
	s3 =	sadd.s32 s3, s5;
	[dreg:$0x0] =	wrdreg $0x0  }
0xa8: {  	s5 =	sshll.u32 s28, $0x1;
	[dreg:$0x2] =	wrdreg s3  }
0xa9: {  	[dreg:$0x3] =	wrdreg s5  }
0xaa: {  	[dreg:$0x4] =	wrdreg $0xC0  }
0xab: {  	_ =	task [dreg:s7], $0x5FFFF  }
0xac: {  	[dreg:$0x1] =	wrdreg $0xFFFFFFFF  }
0xad: {  	[dreg:$0x0] =	wrdreg $0x60  }
0xae: {  	[dreg:$0x2] =	wrdreg s24  }
0xaf: {  	[dreg:$0x3] =	wrdreg s2  }
0xb0: {  	[dreg:$0x4] =	wrdreg $0xB5400  }
0xb1: {  	[dreg:$0x5] =	wrdreg $0x9  }
0xb2: {  	_ =	task.clear_ibuf [dreg:s7], $0x6FFFF;
	_ =	strace $0x9000004C  }
0xb3: {  	s29 =	simm.s32 $0x9;
	_ =	strace $0x8000004E  }
0xb4: {  	_ =	swait.ge [sflag:s29], $0x1  }
0xb5: {  	[sflag:s29] =	ssyncadd.s32 $0xFFFFFFFF  }
0xb6: {  	_ =	strace $0x9000004E  }
0xb7: {  	_ =	sfence  }
0xb8: {  	s30 =	sld [smem:$0x0];
	_ =	sdelay $0x2  }
0xb9: {  	s31 =	sshll.u32 s1, $0xD;
	s1 =	sshrl.u32 s1, $0x2  }
0xba: {  	s3 =	sand.u32 $0x4000, s31;
	s1 =	sadd.s32 s1, s30  }
0xbb: {  	s0 =	sor.u32 s3, s0;
	s1 =	sshll.u32 s1, $0x11  }
0xbc: {  	s0 =	sor.u32 s1, s0  }
0xbd: {  	s0 =	sadd.s32 $0x8F2B, s0  }
0xbe: {  	[sflag:s0] =	ssyncadd.remote.s32 $0x1  }
0xbf: {  	_ =	sfence.sel $0xFFFF  }
0xc0: {  	[dreg:$0x0] =	wrdreg $0xFFFFFFFF;
	(pc) =	sbr.abs _section_cstart, $3  }
0xc1: {  	[dreg:$0x1] =	wrdreg $0xFFFFFFFF  }
0xc2: {  	_ =	task.clear_ibuf [dreg:s7], $0x2FFFF;
	_ =	strace $0x9FFFFFFF  }
0xc3: {  	(tm) =	ssettm $0x7FFFFFFF  }
tec
execute0_lowered:
.L_overlay_start_1:
0x0: {  	(tag) =	ssettag $0x1  }
0x1: {  	s5 =	rddreg [dreg:$0x0]  }
0x2: {  	s2 =	rddreg [dreg:$0x1]  }
0x3: {  	s3 =	rddreg [dreg:$0x2]  }
0x4: {  	s0 =	rddreg [dreg:$0x3];
	s4 =	srdreg.scid  }
0x5: {  	s1 =	stileid.u32;
	s16 =	simm.s32 $0x3;
	s17 =	simm.s32 $0x28A0  }
0x6: {  	s18 =	simm.s32 $0x5140;
	s19 =	simm.s32 $0x64;
	s20 =	simm.s32 $0x68  }
0x7: {  	s21 =	simm.s32 $0x8340;
	s22 =	simm.s32 $0x1;
	s23 =	simm.s32 $0x2  }
0x8: {  	s24 =	simm.s32 $0x5070;
	s25 =	simm.s32 $0x50D8;
	s26 =	simm.s32 $0x0  }
0x9: {  	s6 =	sand.u32 $0x1, s4;
	s7 =	sshll.u32 s1, $0x1;
	s8 =	smul.u32 $0x13880, s1  }
0xa: {  	s4 =	simm.s32 $0x0;
	s10 =	smul.u32 $0x4E200, s1;
	s7 =	sor.u32 s6, s7  }
0xb: {  	s9 =	smul.u32 $0x138800, s6;
	[smem:$0x7FF] =	sst s4;
	s6 =	ssub.s32 $0x2, s6  }
0xc: {  	s7 =	smul.u32 $0x514, s7;
	_ =	strace $0x8000004D;
	s30 =	sshrl.u32 s6, $0x1  }
0xd: {  	s31 =	sshrl.u32 s10, $0x2;
	s9 =	sadd.s32 s8, s9;
	s15 =	ssub.s32 s6, s30  }
0xe: {  	s13 =	sadd.s32 s31, s3;
	s7 =	sadd.s32 s7, s5;
	s9 =	sshrl.u32 s9, $0x3  }
0xf: {  	s10 =	sadd.s32 $0x9600, s13;
	s11 =	sadd.s32 $0xC800, s13;
	s12 =	sadd.s32 $0xFA00, s13  }
0x10: {  	s15 =	smax.u32 s15, $0x1;
	s14 =	sadd.s32 s9, s5;
	s5 =	sadd.s32 $0xDE00, s7  }
0x11: {  	s6 =	sadd.s32 $0x3800, s7;
	s7 =	sadd.s32 s8, s3;
	s8 =	sadd.s32 $0x3200, s13  }
0x12: {  	v0 =	vimm.f32 $0.0e+00;
	s9 =	sadd.s32 $0x6400, s13;
	s13 =	sadd.s32 $0x12C00, s13;
	s14 =	sadd.s32 $0x18200, s14  }
.LBB2_1:
0x13: {  	[tilespmem:s4], [sflag:$0x3] =	stream.linear.gather [hbm4b:s5+s4], $0x28A0, $0x38;
	[tilespmem:$0x1EDC0] =	vst v63  }
0x14: {  	_ =	swait.ge [sflag:s16], $0x28A0  }
0x15: {  	[sflag:s16] =	ssyncset.done $0x0  }
0x16: {  	[sflag:s16] =	ssyncadd.s32 $0xFFFFD760  }
0x17: {  	[tilespmem:s17], [sflag:$0x3] =	stream.linear.gather [hbm4b:s6+s4], $0x28A0, $0x38;
	[tilespmem:$0x1EDC0] =	vst v63  }
0x18: {  	_ =	swait.ge [sflag:s16], $0x28A0  }
0x19: {  	[sflag:s16] =	ssyncset.done $0x0  }
0x1a: {  	s28 =	simm.s32 $0x0;
	s29 =	simm.s32 $0x200;
	[sflag:s16] =	ssyncadd.s32 $0xFFFFD760  }
.LBB2_2:
0x1b: {  	p0 =	sne.s32 s29, $0xC600;
	[tilespmem:s28+$0x51B0] =	vst v0  }
0x1c: {  	[tilespmem:s28+$0x5140] =	vst v0  }
0x1d: {  	[tilespmem:s28+$0x5150] =	vst v0  }
.Ltmp0:
0x1e: {  	[tilespmem:s28+$0x5160] =	vst v0;
	(pc) =	sbr.rel @p0 .LBB2_2-.Ltmp0, $4  }
0x1f: {  	[tilespmem:s28+$0x5170] =	vst v0  }
0x20: {  	[tilespmem:s28+$0x5180] =	vst v0  }
0x21: {  	[tilespmem:s28+$0x5190] =	vst v0  }
0x22: {  	[tilespmem:s28+$0x51A0] =	vst v0;
	s28 =	sshra.s32 s29, $0x2;
	s29 =	sadd.s32 $0x200, s29  }
0x23: {  	[tilespmem:s28+$0x51B0] =	vst v0  }
0x24: {  	[tilespmem:s28+$0x5140] =	vst v0  }
0x25: {  	[tilespmem:s28+$0x5150] =	vst v0  }
0x26: {  	[tilespmem:s28+$0x5160] =	vst v0  }
0x27: {  	[tilespmem:s28+$0x5170] =	vst v0  }
0x28: {  	[tilespmem:s28+$0x5180] =	vst v0  }
0x29: {  	[tilespmem:s28+$0x5190] =	vst v0  }
0x2a: {  	[tilespmem:s28+$0x51A0] =	vst v0  }
0x2b: {  	[spmem:s7] =	stream.linear.scatter [tilespmem:s18], [sflag:$0x3], $0x3200, $0x38;
	[tilespmem:$0x1EDC0] =	vst v63  }
0x2c: {  	_ =	swait.ge [sflag:s16], $0x3200  }
0x2d: {  	[sflag:s16] =	ssyncset.done $0x0  }
0x2e: {  	[sflag:s16] =	ssyncadd.s32 $0xFFFFCE00  }
0x2f: {  	[spmem:s8] =	stream.linear.scatter [tilespmem:s18], [sflag:$0x3], $0x3200, $0x38;
	[tilespmem:$0x1EDC0] =	vst v63  }
0x30: {  	_ =	swait.ge [sflag:s16], $0x3200  }
0x31: {  	[sflag:s16] =	ssyncset.done $0x0  }
0x32: {  	[sflag:s16] =	ssyncadd.s32 $0xFFFFCE00  }
0x33: {  	[spmem:s9] =	stream.linear.scatter [tilespmem:s18], [sflag:$0x3], $0x3200, $0x38;
	[tilespmem:$0x1EDC0] =	vst v63  }
0x34: {  	_ =	swait.ge [sflag:s16], $0x3200  }
0x35: {  	[sflag:s16] =	ssyncset.done $0x0  }
0x36: {  	[sflag:s16] =	ssyncadd.s32 $0xFFFFCE00  }
0x37: {  	[spmem:s10] =	stream.linear.scatter [tilespmem:s18], [sflag:$0x3], $0x3200, $0x38;
	[tilespmem:$0x1EDC0] =	vst v63  }
0x38: {  	_ =	swait.ge [sflag:s16], $0x3200  }
0x39: {  	[sflag:s16] =	ssyncset.done $0x0  }
0x3a: {  	[sflag:s16] =	ssyncadd.s32 $0xFFFFCE00  }
0x3b: {  	[spmem:s11] =	stream.linear.scatter [tilespmem:s18], [sflag:$0x3], $0x3200, $0x38;
	[tilespmem:$0x1EDC0] =	vst v63  }
0x3c: {  	_ =	swait.ge [sflag:s16], $0x3200  }
0x3d: {  	[sflag:s16] =	ssyncset.done $0x0  }
0x3e: {  	[sflag:s16] =	ssyncadd.s32 $0xFFFFCE00  }
0x3f: {  	[spmem:s12] =	stream.linear.scatter [tilespmem:s18], [sflag:$0x3], $0x3200, $0x38;
	[tilespmem:$0x1EDC0] =	vst v63  }
0x40: {  	_ =	swait.ge [sflag:s16], $0x3200  }
0x41: {  	[sflag:s16] =	ssyncset.done $0x0  }
0x42: {  	[sflag:s16] =	ssyncadd.s32 $0xFFFFCE00  }
0x43: {  	[spmem:s13] =	stream.linear.scatter [tilespmem:s18], [sflag:$0x3], $0xC80, $0x38;
	[tilespmem:$0x1EDC0] =	vst v63  }
0x44: {  	_ =	swait.ge [sflag:s16], $0xC80  }
0x45: {  	[sflag:s16] =	ssyncset.done $0x0  }
0x46: {  	s28 =	simm.s32 $0x0;
	[sflag:s16] =	ssyncadd.s32 $0xFFFFF380  }
0x47: {  	[tilespmem:s18], [sflag:$0x1] =	stream.indirect.gather [hbm4b:s2+s19], $0x80, s28, s19, $0xb8;
	[tilespmem:$0x1EDC0] =	vst v63  }
0x48: {  	_ = 	snop  }
0x49: {  	[tilespmem:s21], [sflag:$0x2] =	stream.indirect.gather [hbm4b:s2+s19], $0x80, s20, s19, $0xb8;
	[tilespmem:$0x1EDC0] =	vst v63  }
0x4a: {  	[bflag:$0x0] =	sbarrier.arrive $0xFFFF  }
0x4b: {  	_ =	swait.ge [sflag:s22], $0x3200  }
0x4c: {  	[sflag:s22] =	ssyncset.done $0x0  }
0x4d: {  	s28 =	simm.s32 $0x28A0;
	[sflag:s22] =	ssyncadd.s32 $0xFFFFCE00  }
0x4e: {  	[spmem:s3] =	stream.indirect.scatter.add.f32 [tilespmem:s18], [sflag:$0x3], $0x80, s28, s19, $0xb8;
	[tilespmem:$0x1EDC0] =	vst v63  }
0x4f: {  	_ =	swait.ge [sflag:s16], $0x3200  }
0x50: {  	[sflag:s16] =	ssyncset.done $0x0  }
0x51: {  	s28 =	simm.s32 $0xD0;
	[sflag:s16] =	ssyncadd.s32 $0xFFFFCE00  }
0x52: {  	[tilespmem:s18], [sflag:$0x1] =	stream.indirect.gather [hbm4b:s2+s19], $0x80, s28, s19, $0xb8;
	[tilespmem:$0x1EDC0] =	vst v63  }
0x53: {  	_ =	swait.ge [sflag:s23], $0x3200  }
0x54: {  	[sflag:s23] =	ssyncset.done $0x0  }
0x55: {  	s28 =	simm.s32 $0x2908;
	[sflag:s23] =	ssyncadd.s32 $0xFFFFCE00  }
0x56: {  	[spmem:s3] =	stream.indirect.scatter.add.f32 [tilespmem:s21], [sflag:$0x3], $0x80, s28, s19, $0xb8;
	[tilespmem:$0x1EDC0] =	vst v63  }
0x57: {  	_ =	swait.ge [sflag:s16], $0x3200  }
0x58: {  	[sflag:s16] =	ssyncset.done $0x0  }
0x59: {  	s29 =	simm.s32 $0x138;
	s28 =	simm.s32 $0x340;
	[sflag:s16] =	ssyncadd.s32 $0xFFFFCE00  }
.LBB2_4:
0x5a: {  	[tilespmem:s21], [sflag:$0x2] =	stream.indirect.gather [hbm4b:s2+s19], $0x80, s29, s19, $0xb8;
	[tilespmem:$0x1EDC0] =	vst v63  }
0x5b: {  	s29 =	smov.u32 s28  }
0x5c: {  	p0 =	sne.s32 s28, $0x9C00;
	s28 =	sadd.s32 $0x340, s28;
	_ =	swait.ge [sflag:s22], $0x3200  }
0x5d: {  	s29 =	sshra.s32 s29, $0x2;
	[sflag:s22] =	ssyncset.done $0x0  }
0x5e: {  	s30 =	sadd.s32 $0x28A0, s29;
	[sflag:s22] =	ssyncadd.s32 $0xFFFFCE00  }
0x5f: {  	[spmem:s3] =	stream.indirect.scatter.add.f32 [tilespmem:s18], [sflag:$0x3], $0x80, s30, s19, $0xb8;
	[tilespmem:$0x1EDC0] =	vst v63  }
0x60: {  	_ =	swait.ge [sflag:s16], $0x3200  }
0x61: {  	[sflag:s16] =	ssyncset.done $0x0  }
0x62: {  	s30 =	sadd.s32 $0xD0, s29;
	[sflag:s16] =	ssyncadd.s32 $0xFFFFCE00  }
0x63: {  	[tilespmem:s18], [sflag:$0x1] =	stream.indirect.gather [hbm4b:s2+s19], $0x80, s30, s19, $0xb8;
	[tilespmem:$0x1EDC0] =	vst v63  }
0x64: {  	_ =	swait.ge [sflag:s23], $0x3200  }
0x65: {  	[sflag:s23] =	ssyncset.done $0x0  }
.Ltmp1:
0x66: {  	s30 =	sadd.s32 $0x2908, s29;
	[sflag:s23] =	ssyncadd.s32 $0xFFFFCE00;
	(pc) =	sbr.rel @p0 .LBB2_4-.Ltmp1, $4  }
0x67: {  	[spmem:s3] =	stream.indirect.scatter.add.f32 [tilespmem:s21], [sflag:$0x3], $0x80, s30, s19, $0xb8;
	[tilespmem:$0x1EDC0] =	vst v63  }
0x68: {  	_ =	swait.ge [sflag:s16], $0x3200  }
0x69: {  	[sflag:s16] =	ssyncset.done $0x0  }
0x6a: {  	s29 =	sadd.s32 $0x138, s29;
	[sflag:s16] =	ssyncadd.s32 $0xFFFFCE00  }
0x6b: {  	[tilespmem:s21], [sflag:$0x2] =	stream.indirect.gather [hbm4b:s2+s19], $0x80, s29, s19, $0xb8;
	[tilespmem:$0x1EDC0] =	vst v63  }
0x6c: {  	_ =	swait.ge [sflag:s22], $0x3200  }
0x6d: {  	[sflag:s22] =	ssyncset.done $0x0  }
0x6e: {  	[sflag:s22] =	ssyncadd.s32 $0xFFFFCE00  }
0x6f: {  	[spmem:s3] =	stream.indirect.scatter.add.f32 [tilespmem:s18], [sflag:$0x3], $0x80, s24, s19, $0xb8;
	[tilespmem:$0x1EDC0] =	vst v63  }
0x70: {  	_ =	swait.ge [sflag:s16], $0x3200  }
0x71: {  	[sflag:s16] =	ssyncset.done $0x0  }
0x72: {  	[sflag:s16] =	ssyncadd.s32 $0xFFFFCE00  }
0x73: {  	_ =	swait.ge [sflag:s23], $0x3200  }
0x74: {  	[sflag:s23] =	ssyncset.done $0x0  }
0x75: {  	[sflag:s23] =	ssyncadd.s32 $0xFFFFCE00  }
0x76: {  	[spmem:s3] =	stream.indirect.scatter.add.f32 [tilespmem:s21], [sflag:$0x3], $0x80, s25, s19, $0xb8;
	[tilespmem:$0x1EDC0] =	vst v63  }
0x77: {  	_ =	swait.ge [sflag:s16], $0x3200  }
0x78: {  	s28 =	sshll.u32 s1, $0x6;
	s26 =	sadd.s32 $0x1, s26;
	[sflag:s16] =	ssyncset.done $0x0  }
0x79: {  	s31 =	sshrl.u32 s7, $0x3;
	p0 =	sne.s32 s26, s15;
	[sflag:s16] =	ssyncadd.s32 $0xFFFFCE00  }
.Ltmp2:
0x7a: {  	s28 =	sor.u32 $0x1C03, s28;
	[bflag:$0x0] =	sbarrier.arrive $0xFFFF;
	(pc) =	sbr.rel @p0 .LBB2_1-.Ltmp2, $4  }
0x7b: {  	[hbm:s14], [sflag:s28] =	dma.local [spmem:s31], $0x2710  }
0x7c: {  	_ =	swait.ge [sflag:s16], $0x2710  }
0x7d: {  	[sflag:s16] =	ssyncset.done $0x0  }
0x7e: {  	[sflag:s16] =	ssyncadd.s32 $0xFFFFD8F0  }
0x7f: {  	_ =	sfence.sel $0x180000  }
0x80: {  	[bflag:$0x0] =	sbarrier.arrive $0xFFFF  }
0x81: {  	p0 =	sne.s32 s1, $0x0;
	_ =	strace $0x9000004D  }
0x82: {  	s0 =	sadd.s32 @!p0 $0x100000, s0;
	[bflag:$0x2] =	sbarrier.arrive $0xFFFF  }
0x83: {  	[sflag:s0] =	ssyncadd.tile.s32 @!p0 $0x1;
	_ =	shalt  }
.Lfunc_end2:
_tile_overlayer_lowered:
.L_overlay_start_2:
0x84: {  	(tag) =	ssettag $0x2  }
0x85: {  	s0 =	rddreg [dreg:$0x0];
	s2 =	stileid.u32  }
0x86: {  	s1 =	rddreg [dreg:$0x1];
	p0 =	sne.s32 s2, $0x0  }
0x87: {  	s3 =	rddreg [dreg:$0x2];
	[bflag:$0x3] =	sbarrier.arrive $0xFFFF;
	s2 =	simm.s32 @!p0 $0x1C03  }
0x88: {  	[timem:s3], [sflag:s2] =	dma.local @!p0 [hbm:s0], s1  }
0x89: {  	s0 =	simm.s32 @!p0 $0x3  }
0x8a: {  	_ =	swait.ge @!p0 [sflag:s0], s1  }
0x8b: {  	s1 =	ssub.s32 @!p0 $0x0, s1;
	[sflag:s0] =	ssyncset.done @!p0 $0x0  }
0x8c: {  	[sflag:s0] =	ssyncadd.s32 @!p0 s1  }
0x8d: {  	[bflag:$0x3] =	sbarrier.arrive $0xFFFF  }
0x8e: {  	_ =	shalt  }

</sc_bundles>
